<compile_context>
chip_gen: v7x
topology: tpu7x:2x2x1
jax: 0.10.2.dev20260603
libtpu: 0.0.44.dev20260713+nightly
codegen_flags: <defaults>
</compile_context>

<pallas_src>
import functools

import jax
import jax.numpy as jnp
from jax import lax
from jax.experimental import pallas as pl
from jax.experimental.pallas import tpu as pltpu
from jax.experimental.pallas import tpu_sc as plsc

N_NODES = 10000
D = 128
NC = 2
NS = 16
NW = NC * NS
CHUNK = 128
CHUNKS_PER_W = 80
GCHUNKS = 8
SUB = 2
CPW_FAST = 136
CPW_SLOW = 24
FAST_CORE = 0
E_PAD = NW * CHUNKS_PER_W * CHUNK
N_PAD = 10240
ROWS_PER_TILE = N_PAD // NS
DUMMY_COL = N_NODES

_mesh = plsc.VectorSubcoreMesh(core_axis_name="c", subcore_axis_name="s")


def _zero_acc_slice(zsrc, acc, base):
    full = ROWS_PER_TILE // CHUNK
    for k in range(full):
        pltpu.sync_copy(zsrc, acc.at[pl.ds(base + k * CHUNK, CHUNK)])
    rem = ROWS_PER_TILE - full * CHUNK
    if rem:
        pltpu.sync_copy(zsrc.at[pl.ds(0, rem)],
                        acc.at[pl.ds(base + full * CHUNK, rem)])


@functools.partial(
    pl.kernel,
    mesh=_mesh,
    out_type=jax.ShapeDtypeStruct((NC, N_PAD, D), jnp.float32),
    scratch_types=[
        pltpu.VMEM((CHUNKS_PER_W, CHUNK), jnp.int32),
        pltpu.VMEM((CHUNK, D), jnp.float32),
        pltpu.VMEM((CHUNK, D), jnp.float32),
        pltpu.VMEM_SHARED((N_PAD, D), jnp.float32),
    ],
)
def _deg_kernel(cidx_hbm, out_hbm, cidx_v, obuf, zbuf, acc):
    core = lax.axis_index("c")
    sid = lax.axis_index("s")
    wid = sid * NC + core
    one16 = jnp.ones((16,), jnp.float32)
    z16 = jnp.zeros((16,), jnp.float32)

    def fill(r, carry):
        for k in range(D // 16):
            obuf[r, pl.ds(k * 16, 16)] = one16
            zbuf[r, pl.ds(k * 16, 16)] = z16
        return carry

    lax.fori_loop(0, CHUNK, fill, 0)
    pltpu.sync_copy(cidx_hbm.at[pl.ds(wid * CHUNKS_PER_W, CHUNKS_PER_W)],
                    cidx_v)
    base = sid * ROWS_PER_TILE
    _zero_acc_slice(zbuf, acc, base)
    plsc.subcore_barrier()

    def body(j, carry):
        pltpu.sync_copy(obuf, acc.at[cidx_v.at[j]], add=True)
        return carry

    lax.fori_loop(0, CHUNKS_PER_W, body, 0)
    plsc.subcore_barrier()
    pltpu.sync_copy(acc.at[pl.ds(base, ROWS_PER_TILE)],
                    out_hbm.at[core, pl.ds(base, ROWS_PER_TILE)])


@functools.partial(
    pl.kernel,
    mesh=_mesh,
    out_type=jax.ShapeDtypeStruct((NC, N_PAD, D), jnp.float32),
    scratch_types=[
        pltpu.VMEM((GCHUNKS, CHUNK), jnp.int32),
        pltpu.VMEM((GCHUNKS, CHUNK), jnp.int32),
        pltpu.VMEM((CHUNK, D), jnp.float32),
        pltpu.VMEM((CHUNK, D), jnp.float32),
        pltpu.VMEM_SHARED((N_PAD, D), jnp.float32),
        pltpu.SemaphoreType.DMA,
        pltpu.SemaphoreType.DMA,
    ],
)
def _agg_kernel(hp_hbm, ridx_hbm, cidx_hbm, out_hbm,
                ridx_v, cidx_v, g0, g1, acc, sem0, sem1):
    core = lax.axis_index("c")
    sid = lax.axis_index("s")
    is_fast = core == FAST_CORE
    my_cpw = jnp.where(is_fast, CPW_FAST, CPW_SLOW)
    chunk0 = jnp.where(is_fast, sid * CPW_FAST,
                       NS * CPW_FAST + sid * CPW_SLOW)
    z16 = jnp.zeros((16,), jnp.float32)

    def zrow(r, carry):
        for k in range(D // 16):
            g0[r, pl.ds(k * 16, 16)] = z16
        return carry

    base = sid * ROWS_PER_TILE
    lax.fori_loop(0, CHUNK, zrow, 0)
    _zero_acc_slice(g0, acc, base)
    plsc.subcore_barrier()

    def start_gather(j, g, sem):
        step = CHUNK // SUB
        for q in range(SUB):
            pltpu.async_copy(hp_hbm.at[ridx_v.at[j, pl.ds(q * step, step)]],
                             g.at[pl.ds(q * step, step)], sem)

    def wait_gather(j, g, sem):
        pltpu.make_async_copy(hp_hbm.at[ridx_v.at[j]], g, sem).wait()

    def group(g, carry):
        gbase = chunk0 + g * GCHUNKS
        pltpu.sync_copy(ridx_hbm.at[pl.ds(gbase, GCHUNKS)], ridx_v)
        pltpu.sync_copy(cidx_hbm.at[pl.ds(gbase, GCHUNKS)], cidx_v)
        start_gather(0, g0, sem0)

        def body(i, carry2):
            j0 = 2 * i
            start_gather(j0 + 1, g1, sem1)
            wait_gather(j0, g0, sem0)
            pltpu.sync_copy(g0, acc.at[cidx_v.at[j0]], add=True)

            @pl.when(i < GCHUNKS // 2 - 1)
            def _prefetch():
                start_gather(j0 + 2, g0, sem0)

            wait_gather(j0 + 1, g1, sem1)
            pltpu.sync_copy(g1, acc.at[cidx_v.at[j0 + 1]], add=True)
            return carry2

        lax.fori_loop(0, GCHUNKS // 2, body, 0)
        return carry

    lax.fori_loop(0, my_cpw // GCHUNKS, group, 0)
    plsc.subcore_barrier()
    pltpu.sync_copy(acc.at[pl.ds(base, ROWS_PER_TILE)],
                    out_hbm.at[core, pl.ds(base, ROWS_PER_TILE)])


BLK = 400


def _mm_body(x_ref, w_ref, h_ref):
    h_ref[...] = lax.dot_general(x_ref[...], w_ref[...],
                                 (((1,), (1,)), ((), ())),
                                 preferred_element_type=jnp.float32)


_mm = pl.pallas_call(
    _mm_body,
    grid=(N_NODES // BLK,),
    in_specs=[
        pl.BlockSpec((BLK, D), lambda i: (i, 0)),
        pl.BlockSpec((D, D), lambda i: (0, 0)),
    ],
    out_specs=pl.BlockSpec((BLK, D), lambda i: (i, 0)),
    out_shape=jax.ShapeDtypeStruct((N_NODES, D), jnp.float32),
)


def _scale_body(dp_ref, h_ref, hp_ref):
    deg = (dp_ref[0].sum(axis=-1) + dp_ref[1].sum(axis=-1)) * (1.0 / D) + 1.0
    dis = lax.rsqrt(deg)
    hp_ref[...] = h_ref[...] * dis[:, None]


_scale = pl.pallas_call(
    _scale_body,
    grid=(N_NODES // BLK,),
    in_specs=[
        pl.BlockSpec((NC, BLK, D), lambda i: (0, i, 0)),
        pl.BlockSpec((BLK, D), lambda i: (i, 0)),
    ],
    out_specs=pl.BlockSpec((BLK, D), lambda i: (i, 0)),
    out_shape=jax.ShapeDtypeStruct((N_NODES, D), jnp.float32),
)


def _fin_body(dp_ref, a_ref, hp_ref, b_ref, o_ref):
    deg = (dp_ref[0].sum(axis=-1) + dp_ref[1].sum(axis=-1)) * (1.0 / D) + 1.0
    dis = lax.rsqrt(deg)
    s = a_ref[0] + a_ref[1] + hp_ref[...]
    o_ref[...] = s * dis[:, None] + b_ref[...]


_fin = pl.pallas_call(
    _fin_body,
    grid=(N_NODES // BLK,),
    in_specs=[
        pl.BlockSpec((NC, BLK, D), lambda i: (0, i, 0)),
        pl.BlockSpec((NC, BLK, D), lambda i: (0, i, 0)),
        pl.BlockSpec((BLK, D), lambda i: (i, 0)),
        pl.BlockSpec((1, D), lambda i: (0, 0)),
    ],
    out_specs=pl.BlockSpec((BLK, D), lambda i: (i, 0)),
    out_shape=jax.ShapeDtypeStruct((N_NODES, D), jnp.float32),
)


def kernel(x, edge_index, W, b):
    ei = edge_index.astype(jnp.int32)
    row, col = ei[0], ei[1]
    pad = E_PAD - row.shape[0]
    row = jnp.concatenate([row, jnp.zeros((pad,), jnp.int32)])
    col = jnp.concatenate([col, jnp.full((pad,), DUMMY_COL, jnp.int32)])
    ridx = row.reshape(E_PAD // CHUNK, CHUNK)
    cidx = col.reshape(E_PAD // CHUNK, CHUNK)

    h = _mm(x, W)
    deg_parts = _deg_kernel(cidx)
    hp = _scale(deg_parts, h)
    acc = _agg_kernel(hp, ridx, cidx)
    return _fin(deg_parts, acc, hp, b.reshape(1, D))

# --- scband reference (transcript-rebuilt; emitter-appended) ---
"""Pipeline reference for scband-gcn-mpnn-35880156791371 (READ-ONLY COPY).

The authoritative reference and input builder live on the scoring server;
editing this copy changes nothing except your own understanding.
"""

import jax, jax.numpy as jnp
import numpy as np

N_NODES = 10000
N_EDGES = 320000
D_IN = 128
D_OUT = 128

def setup_inputs(seed: int = 0) -> dict:
    key = jax.random.key(seed)
    k1, k2, k3 = jax.random.split(key, 3)
    x = jax.random.normal(k1, (N_NODES, D_IN), dtype=jnp.float32)
    edge_index = jax.random.randint(k2, (2, N_EDGES), 0, N_NODES, dtype=jnp.int64)
    # xavier_normal_ for Linear weight [out, in]
    std = float(np.sqrt(2.0 / (D_IN + D_OUT)))
    W = jax.random.normal(k3, (D_OUT, D_IN), dtype=jnp.float32) * std
    b = jnp.zeros((D_OUT,), dtype=jnp.float32)
    return {"x": x, "edge_index": edge_index, "W": W, "b": b}

def reference(x, edge_index, W, b):
    N = x.shape[0]
    # add_self_loops
    loops = jnp.arange(N, dtype=edge_index.dtype)
    ei = jnp.concatenate([edge_index, jnp.stack([loops, loops], axis=0)], axis=1)
    row, col = ei[0], ei[1]
    # message: linear, symmetric norm, gather
    h = x @ W.T
    deg = jnp.zeros((N,), dtype=h.dtype).at[col].add(1.0)
    deg_inv_sqrt = deg ** (-0.5)
    norm = deg_inv_sqrt[row] * deg_inv_sqrt[col]
    x_j = norm[:, None] * h[row]
    # aggregate: scatter-sum over dst (col)
    agg = jnp.zeros((N, h.shape[1]), dtype=h.dtype).at[col].add(x_j)
    # update: bias
    return agg + b

if __name__ == "__main__":
    import jax
    _d = setup_inputs()
    print(jax.jit(kernel)(*tuple(_d.values())))

</pallas_src>

<mosaic_0001>
#map = affine_map<(d0, d1) -> (0, 0)>
#map1 = affine_map<(d0, d1) -> (0, 0, 0)>
module attributes {stable_mosaic.version = 14 : i64} {
  func.func @_deg_kernel(%arg0: i32, %arg1: i32, %arg2: memref<2560x128xi32, #tpu.memory_space<hbm>>, %arg3: memref<2x10240x128xf32, #tpu.memory_space<hbm>>, %arg4: memref<80x128xi32, #tpu.memory_space<vmem>>, %arg5: memref<128x128xf32, #tpu.memory_space<vmem>>, %arg6: memref<128x128xf32, #tpu.memory_space<vmem>>, %arg7: memref<10240x128xf32, #tpu.memory_space<vmem_shared>>) attributes {dimension_semantics = [#tpu.dimension_semantics<core_parallel>, #tpu.dimension_semantics<subcore_parallel>], iteration_bounds = array<i64: 2, 16>, scalar_prefetch = 0 : i64, scratch_operands = 4 : i64, tpu.core_type = #tpu.core_type<sc_vector_subcore>, window_params = [{transform_indices = #map}, {transform_indices = #map1}]} {
    %mul3A = arith.constant 2 : i32
    %mul3A_0 = arith.muli %arg1, %mul3A : i32
    %add3A = arith.addi %mul3A_0, %arg0 : i32
    %broadcast_in_dim3A = arith.constant 1.000000e+00 : f32
    %broadcast_in_dim3A_1 = vector.broadcast %broadcast_in_dim3A : f32 to vector<16xf32>
    %broadcast_in_dim3A_2 = arith.constant 0.000000e+00 : f32
    %broadcast_in_dim3A_3 = vector.broadcast %broadcast_in_dim3A_2 : f32 to vector<16xf32>
    %scan3A = arith.constant 0 : i32
    %scan3A_4 = arith.constant 0 : i32
    %scan3A_5 = arith.constant 128 : i32
    %scan3A_6 = arith.addi %scan3A_4, %scan3A_5 : i32
    %scan3A_7 = arith.constant 1 : i32
    scf.for %scan3A_30 = %scan3A_4 to %scan3A_6 step %scan3A_7  : i32 {
      %swap3A = arith.index_cast %scan3A_30 : i32 to index
      %swap3A_31 = arith.constant 0 : index
      %swap3A_32 = tpu.vector_load %arg5[%swap3A, %swap3A_31] {strides = array<i32>} : memref<128x128xf32, #tpu.memory_space<vmem>>, vector<1x16xf32>,
      %swap3A_33 = vector.shape_cast %swap3A_32 : vector<1x16xf32> to vector<16xf32>
      %swap3A_34 = vector.shape_cast %broadcast_in_dim3A_1 : vector<16xf32> to vector<1x16xf32>
      tpu.vector_store %arg5[%swap3A, %swap3A_31], %swap3A_34 {strides = array<i32>} : memref<128x128xf32, #tpu.memory_space<vmem>>, vector<1x16xf32>,
      %swap3A_35 = arith.index_cast %scan3A_30 : i32 to index
      %swap3A_36 = arith.constant 0 : index
      %swap3A_37 = tpu.vector_load %arg6[%swap3A_35, %swap3A_36] {strides = array<i32>} : memref<128x128xf32, #tpu.memory_space<vmem>>, vector<1x16xf32>,
      %swap3A_38 = vector.shape_cast %swap3A_37 : vector<1x16xf32> to vector<16xf32>
      %swap3A_39 = vector.shape_cast %broadcast_in_dim3A_3 : vector<16xf32> to vector<1x16xf32>
      tpu.vector_store %arg6[%swap3A_35, %swap3A_36], %swap3A_39 {strides = array<i32>} : memref<128x128xf32, #tpu.memory_space<vmem>>, vector<1x16xf32>,
      %swap3A_40 = arith.index_cast %scan3A_30 : i32 to index
      %swap3A_41 = arith.constant 16 : index
      %swap3A_42 = tpu.vector_load %arg5[%swap3A_40, %swap3A_41] {strides = array<i32>} : memref<128x128xf32, #tpu.memory_space<vmem>>, vector<1x16xf32>,
      %swap3A_43 = vector.shape_cast %swap3A_42 : vector<1x16xf32> to vector<16xf32>
      %swap3A_44 = vector.shape_cast %broadcast_in_dim3A_1 : vector<16xf32> to vector<1x16xf32>
      tpu.vector_store %arg5[%swap3A_40, %swap3A_41], %swap3A_44 {strides = array<i32>} : memref<128x128xf32, #tpu.memory_space<vmem>>, vector<1x16xf32>,
      %swap3A_45 = arith.index_cast %scan3A_30 : i32 to index
      %swap3A_46 = arith.constant 16 : index
      %swap3A_47 = tpu.vector_load %arg6[%swap3A_45, %swap3A_46] {strides = array<i32>} : memref<128x128xf32, #tpu.memory_space<vmem>>, vector<1x16xf32>,
      %swap3A_48 = vector.shape_cast %swap3A_47 : vector<1x16xf32> to vector<16xf32>
      %swap3A_49 = vector.shape_cast %broadcast_in_dim3A_3 : vector<16xf32> to vector<1x16xf32>
      tpu.vector_store %arg6[%swap3A_45, %swap3A_46], %swap3A_49 {strides = array<i32>} : memref<128x128xf32, #tpu.memory_space<vmem>>, vector<1x16xf32>,
      %swap3A_50 = arith.index_cast %scan3A_30 : i32 to index
      %swap3A_51 = arith.constant 32 : index
      %swap3A_52 = tpu.vector_load %arg5[%swap3A_50, %swap3A_51] {strides = array<i32>} : memref<128x128xf32, #tpu.memory_space<vmem>>, vector<1x16xf32>,
      %swap3A_53 = vector.shape_cast %swap3A_52 : vector<1x16xf32> to vector<16xf32>
      %swap3A_54 = vector.shape_cast %broadcast_in_dim3A_1 : vector<16xf32> to vector<1x16xf32>
      tpu.vector_store %arg5[%swap3A_50, %swap3A_51], %swap3A_54 {strides = array<i32>} : memref<128x128xf32, #tpu.memory_space<vmem>>, vector<1x16xf32>,
      %swap3A_55 = arith.index_cast %scan3A_30 : i32 to index
      %swap3A_56 = arith.constant 32 : index
      %swap3A_57 = tpu.vector_load %arg6[%swap3A_55, %swap3A_56] {strides = array<i32>} : memref<128x128xf32, #tpu.memory_space<vmem>>, vector<1x16xf32>,
      %swap3A_58 = vector.shape_cast %swap3A_57 : vector<1x16xf32> to vector<16xf32>
      %swap3A_59 = vector.shape_cast %broadcast_in_dim3A_3 : vector<16xf32> to vector<1x16xf32>
      tpu.vector_store %arg6[%swap3A_55, %swap3A_56], %swap3A_59 {strides = array<i32>} : memref<128x128xf32, #tpu.memory_space<vmem>>, vector<1x16xf32>,
      %swap3A_60 = arith.index_cast %scan3A_30 : i32 to index
      %swap3A_61 = arith.constant 48 : index
      %swap3A_62 = tpu.vector_load %arg5[%swap3A_60, %swap3A_61] {strides = array<i32>} : memref<128x128xf32, #tpu.memory_space<vmem>>, vector<1x16xf32>,
      %swap3A_63 = vector.shape_cast %swap3A_62 : vector<1x16xf32> to vector<16xf32>
      %swap3A_64 = vector.shape_cast %broadcast_in_dim3A_1 : vector<16xf32> to vector<1x16xf32>
      tpu.vector_store %arg5[%swap3A_60, %swap3A_61], %swap3A_64 {strides = array<i32>} : memref<128x128xf32, #tpu.memory_space<vmem>>, vector<1x16xf32>,
      %swap3A_65 = arith.index_cast %scan3A_30 : i32 to index
      %swap3A_66 = arith.constant 48 : index
      %swap3A_67 = tpu.vector_load %arg6[%swap3A_65, %swap3A_66] {strides = array<i32>} : memref<128x128xf32, #tpu.memory_space<vmem>>, vector<1x16xf32>,
      %swap3A_68 = vector.shape_cast %swap3A_67 : vector<1x16xf32> to vector<16xf32>
      %swap3A_69 = vector.shape_cast %broadcast_in_dim3A_3 : vector<16xf32> to vector<1x16xf32>
      tpu.vector_store %arg6[%swap3A_65, %swap3A_66], %swap3A_69 {strides = array<i32>} : memref<128x128xf32, #tpu.memory_space<vmem>>, vector<1x16xf32>,
      %swap3A_70 = arith.index_cast %scan3A_30 : i32 to index
      %swap3A_71 = arith.constant 64 : index
      %swap3A_72 = tpu.vector_load %arg5[%swap3A_70, %swap3A_71] {strides = array<i32>} : memref<128x128xf32, #tpu.memory_space<vmem>>, vector<1x16xf32>,
      %swap3A_73 = vector.shape_cast %swap3A_72 : vector<1x16xf32> to vector<16xf32>
      %swap3A_74 = vector.shape_cast %broadcast_in_dim3A_1 : vector<16xf32> to vector<1x16xf32>
      tpu.vector_store %arg5[%swap3A_70, %swap3A_71], %swap3A_74 {strides = array<i32>} : memref<128x128xf32, #tpu.memory_space<vmem>>, vector<1x16xf32>,
      %swap3A_75 = arith.index_cast %scan3A_30 : i32 to index
      %swap3A_76 = arith.constant 64 : index
      %swap3A_77 = tpu.vector_load %arg6[%swap3A_75, %swap3A_76] {strides = array<i32>} : memref<128x128xf32, #tpu.memory_space<vmem>>, vector<1x16xf32>,
      %swap3A_78 = vector.shape_cast %swap3A_77 : vector<1x16xf32> to vector<16xf32>
      %swap3A_79 = vector.shape_cast %broadcast_in_dim3A_3 : vector<16xf32> to vector<1x16xf32>
      tpu.vector_store %arg6[%swap3A_75, %swap3A_76], %swap3A_79 {strides = array<i32>} : memref<128x128xf32, #tpu.memory_space<vmem>>, vector<1x16xf32>,
      %swap3A_80 = arith.index_cast %scan3A_30 : i32 to index
      %swap3A_81 = arith.constant 80 : index
      %swap3A_82 = tpu.vector_load %arg5[%swap3A_80, %swap3A_81] {strides = array<i32>} : memref<128x128xf32, #tpu.memory_space<vmem>>, vector<1x16xf32>,
      %swap3A_83 = vector.shape_cast %swap3A_82 : vector<1x16xf32> to vector<16xf32>
      %swap3A_84 = vector.shape_cast %broadcast_in_dim3A_1 : vector<16xf32> to vector<1x16xf32>
      tpu.vector_store %arg5[%swap3A_80, %swap3A_81], %swap3A_84 {strides = array<i32>} : memref<128x128xf32, #tpu.memory_space<vmem>>, vector<1x16xf32>,
      %swap3A_85 = arith.index_cast %scan3A_30 : i32 to index
      %swap3A_86 = arith.constant 80 : index
      %swap3A_87 = tpu.vector_load %arg6[%swap3A_85, %swap3A_86] {strides = array<i32>} : memref<128x128xf32, #tpu.memory_space<vmem>>, vector<1x16xf32>,
      %swap3A_88 = vector.shape_cast %swap3A_87 : vector<1x16xf32> to vector<16xf32>
      %swap3A_89 = vector.shape_cast %broadcast_in_dim3A_3 : vector<16xf32> to vector<1x16xf32>
      tpu.vector_store %arg6[%swap3A_85, %swap3A_86], %swap3A_89 {strides = array<i32>} : memref<128x128xf32, #tpu.memory_space<vmem>>, vector<1x16xf32>,
      %swap3A_90 = arith.index_cast %scan3A_30 : i32 to index
      %swap3A_91 = arith.constant 96 : index
      %swap3A_92 = tpu.vector_load %arg5[%swap3A_90, %swap3A_91] {strides = array<i32>} : memref<128x128xf32, #tpu.memory_space<vmem>>, vector<1x16xf32>,
      %swap3A_93 = vector.shape_cast %swap3A_92 : vector<1x16xf32> to vector<16xf32>
      %swap3A_94 = vector.shape_cast %broadcast_in_dim3A_1 : vector<16xf32> to vector<1x16xf32>
      tpu.vector_store %arg5[%swap3A_90, %swap3A_91], %swap3A_94 {strides = array<i32>} : memref<128x128xf32, #tpu.memory_space<vmem>>, vector<1x16xf32>,
      %swap3A_95 = arith.index_cast %scan3A_30 : i32 to index
      %swap3A_96 = arith.constant 96 : index
      %swap3A_97 = tpu.vector_load %arg6[%swap3A_95, %swap3A_96] {strides = array<i32>} : memref<128x128xf32, #tpu.memory_space<vmem>>, vector<1x16xf32>,
      %swap3A_98 = vector.shape_cast %swap3A_97 : vector<1x16xf32> to vector<16xf32>
      %swap3A_99 = vector.shape_cast %broadcast_in_dim3A_3 : vector<16xf32> to vector<1x16xf32>
      tpu.vector_store %arg6[%swap3A_95, %swap3A_96], %swap3A_99 {strides = array<i32>} : memref<128x128xf32, #tpu.memory_space<vmem>>, vector<1x16xf32>,
      %swap3A_100 = arith.index_cast %scan3A_30 : i32 to index
      %swap3A_101 = arith.constant 112 : index
      %swap3A_102 = tpu.vector_load %arg5[%swap3A_100, %swap3A_101] {strides = array<i32>} : memref<128x128xf32, #tpu.memory_space<vmem>>, vector<1x16xf32>,
      %swap3A_103 = vector.shape_cast %swap3A_102 : vector<1x16xf32> to vector<16xf32>
      %swap3A_104 = vector.shape_cast %broadcast_in_dim3A_1 : vector<16xf32> to vector<1x16xf32>
      tpu.vector_store %arg5[%swap3A_100, %swap3A_101], %swap3A_104 {strides = array<i32>} : memref<128x128xf32, #tpu.memory_space<vmem>>, vector<1x16xf32>,
      %swap3A_105 = arith.index_cast %scan3A_30 : i32 to index
      %swap3A_106 = arith.constant 112 : index
      %swap3A_107 = tpu.vector_load %arg6[%swap3A_105, %swap3A_106] {strides = array<i32>} : memref<128x128xf32, #tpu.memory_space<vmem>>, vector<1x16xf32>,
      %swap3A_108 = vector.shape_cast %swap3A_107 : vector<1x16xf32> to vector<16xf32>
      %swap3A_109 = vector.shape_cast %broadcast_in_dim3A_3 : vector<16xf32> to vector<1x16xf32>
      tpu.vector_store %arg6[%swap3A_105, %swap3A_106], %swap3A_109 {strides = array<i32>} : memref<128x128xf32, #tpu.memory_space<vmem>>, vector<1x16xf32>,
    }
    %scan3A_8 = arith.constant 128 : i32
    %mul3A_9 = arith.constant 80 : i32
    %mul3A_10 = arith.muli %add3A, %mul3A_9 : i32
    "tpu.region"() ({
      %run_scoped3A = tpu.sem_alloc : memref<!tpu.dma_semaphore, #tpu.memory_space<semaphore_mem>>
      %dma_start3A = arith.constant 0 : i32
      %dma_start3A_30 = tpu.memref_slice %arg2[%mul3A_10, %dma_start3A] : memref<2560x128xi32, #tpu.memory_space<hbm>> -> memref<80x128xi32, #tpu.memory_space<hbm>>
      %dma_start3A_31 = arith.constant 0 : i32
      %dma_start3A_32 = tpu.memref_slice %arg2[%mul3A_10, %dma_start3A_31] : memref<2560x128xi32, #tpu.memory_space<hbm>> -> memref<80x128xi32, #tpu.memory_space<hbm>>
      tpu.enqueue_dma source(%dma_start3A_32 : memref<80x128xi32, #tpu.memory_space<hbm>>) target(%arg4 : memref<80x128xi32, #tpu.memory_space<vmem>>) target_semaphore(%run_scoped3A : memref<!tpu.dma_semaphore, #tpu.memory_space<semaphore_mem>>)
      %dma_wait3A = arith.constant 0 : i32
      %dma_wait3A_33 = tpu.memref_slice %arg2[%mul3A_10, %dma_wait3A] : memref<2560x128xi32, #tpu.memory_space<hbm>> -> memref<80x128xi32, #tpu.memory_space<hbm>>
      %dma_wait3A_34 = arith.constant 0 : i32
      %dma_wait3A_35 = tpu.memref_slice %arg2[%mul3A_10, %dma_wait3A_34] : memref<2560x128xi32, #tpu.memory_space<hbm>> -> memref<80x128xi32, #tpu.memory_space<hbm>>
      tpu.wait_dma2 semaphore(%run_scoped3A : memref<!tpu.dma_semaphore, #tpu.memory_space<semaphore_mem>>) src(%dma_wait3A_35 : memref<80x128xi32, #tpu.memory_space<hbm>>) dst(%arg4 : memref<80x128xi32, #tpu.memory_space<vmem>>)
      tpu.yield
    }) : () -> ()
    %mul3A_11 = arith.constant 640 : i32
    %mul3A_12 = arith.muli %arg1, %mul3A_11 : i32
    %add3A_13 = arith.constant 0 : i32
    %add3A_14 = arith.addi %mul3A_12, %add3A_13 : i32
    "tpu.region"() ({
      %run_scoped3A = tpu.sem_alloc : memref<!tpu.dma_semaphore, #tpu.memory_space<semaphore_mem>>
      %dma_start3A = arith.constant 0 : i32
      %dma_start3A_30 = tpu.memref_slice %arg7[%add3A_14, %dma_start3A] : memref<10240x128xf32, #tpu.memory_space<vmem_shared>> -> memref<128x128xf32, #tpu.memory_space<vmem_shared>>
      %dma_start3A_31 = arith.constant 0 : i32
      %dma_start3A_32 = tpu.memref_slice %arg7[%add3A_14, %dma_start3A_31] : memref<10240x128xf32, #tpu.memory_space<vmem_shared>> -> memref<128x128xf32, #tpu.memory_space<vmem_shared>>
      tpu.enqueue_dma source(%arg6 : memref<128x128xf32, #tpu.memory_space<vmem>>) target(%dma_start3A_32 : memref<128x128xf32, #tpu.memory_space<vmem_shared>>) target_semaphore(%run_scoped3A : memref<!tpu.dma_semaphore, #tpu.memory_space<semaphore_mem>>)
      %dma_wait3A = arith.constant 0 : i32
      %dma_wait3A_33 = tpu.memref_slice %arg7[%add3A_14, %dma_wait3A] : memref<10240x128xf32, #tpu.memory_space<vmem_shared>> -> memref<128x128xf32, #tpu.memory_space<vmem_shared>>
      %dma_wait3A_34 = arith.constant 0 : i32
      %dma_wait3A_35 = tpu.memref_slice %arg7[%add3A_14, %dma_wait3A_34] : memref<10240x128xf32, #tpu.memory_space<vmem_shared>> -> memref<128x128xf32, #tpu.memory_space<vmem_shared>>
      tpu.wait_dma2 semaphore(%run_scoped3A : memref<!tpu.dma_semaphore, #tpu.memory_space<semaphore_mem>>) src(%arg6 : memref<128x128xf32, #tpu.memory_space<vmem>>) dst(%dma_wait3A_35 : memref<128x128xf32, #tpu.memory_space<vmem_shared>>)
      tpu.yield
    }) : () -> ()
    %add3A_15 = arith.constant 128 : i32
    %add3A_16 = arith.addi %mul3A_12, %add3A_15 : i32
    "tpu.region"() ({
      %run_scoped3A = tpu.sem_alloc : memref<!tpu.dma_semaphore, #tpu.memory_space<semaphore_mem>>
      %dma_start3A = arith.constant 0 : i32
      %dma_start3A_30 = tpu.memref_slice %arg7[%add3A_16, %dma_start3A] : memref<10240x128xf32, #tpu.memory_space<vmem_shared>> -> memref<128x128xf32, #tpu.memory_space<vmem_shared>>
      %dma_start3A_31 = arith.constant 0 : i32
      %dma_start3A_32 = tpu.memref_slice %arg7[%add3A_16, %dma_start3A_31] : memref<10240x128xf32, #tpu.memory_space<vmem_shared>> -> memref<128x128xf32, #tpu.memory_space<vmem_shared>>
      tpu.enqueue_dma source(%arg6 : memref<128x128xf32, #tpu.memory_space<vmem>>) target(%dma_start3A_32 : memref<128x128xf32, #tpu.memory_space<vmem_shared>>) target_semaphore(%run_scoped3A : memref<!tpu.dma_semaphore, #tpu.memory_space<semaphore_mem>>)
      %dma_wait3A = arith.constant 0 : i32
      %dma_wait3A_33 = tpu.memref_slice %arg7[%add3A_16, %dma_wait3A] : memref<10240x128xf32, #tpu.memory_space<vmem_shared>> -> memref<128x128xf32, #tpu.memory_space<vmem_shared>>
      %dma_wait3A_34 = arith.constant 0 : i32
      %dma_wait3A_35 = tpu.memref_slice %arg7[%add3A_16, %dma_wait3A_34] : memref<10240x128xf32, #tpu.memory_space<vmem_shared>> -> memref<128x128xf32, #tpu.memory_space<vmem_shared>>
      tpu.wait_dma2 semaphore(%run_scoped3A : memref<!tpu.dma_semaphore, #tpu.memory_space<semaphore_mem>>) src(%arg6 : memref<128x128xf32, #tpu.memory_space<vmem>>) dst(%dma_wait3A_35 : memref<128x128xf32, #tpu.memory_space<vmem_shared>>)
      tpu.yield
    }) : () -> ()
    %add3A_17 = arith.constant 256 : i32
    %add3A_18 = arith.addi %mul3A_12, %add3A_17 : i32
    "tpu.region"() ({
      %run_scoped3A = tpu.sem_alloc : memref<!tpu.dma_semaphore, #tpu.memory_space<semaphore_mem>>
      %dma_start3A = arith.constant 0 : i32
      %dma_start3A_30 = tpu.memref_slice %arg7[%add3A_18, %dma_start3A] : memref<10240x128xf32, #tpu.memory_space<vmem_shared>> -> memref<128x128xf32, #tpu.memory_space<vmem_shared>>
      %dma_start3A_31 = arith.constant 0 : i32
      %dma_start3A_32 = tpu.memref_slice %arg7[%add3A_18, %dma_start3A_31] : memref<10240x128xf32, #tpu.memory_space<vmem_shared>> -> memref<128x128xf32, #tpu.memory_space<vmem_shared>>
      tpu.enqueue_dma source(%arg6 : memref<128x128xf32, #tpu.memory_space<vmem>>) target(%dma_start3A_32 : memref<128x128xf32, #tpu.memory_space<vmem_shared>>) target_semaphore(%run_scoped3A : memref<!tpu.dma_semaphore, #tpu.memory_space<semaphore_mem>>)
      %dma_wait3A = arith.constant 0 : i32
      %dma_wait3A_33 = tpu.memref_slice %arg7[%add3A_18, %dma_wait3A] : memref<10240x128xf32, #tpu.memory_space<vmem_shared>> -> memref<128x128xf32, #tpu.memory_space<vmem_shared>>
      %dma_wait3A_34 = arith.constant 0 : i32
      %dma_wait3A_35 = tpu.memref_slice %arg7[%add3A_18, %dma_wait3A_34] : memref<10240x128xf32, #tpu.memory_space<vmem_shared>> -> memref<128x128xf32, #tpu.memory_space<vmem_shared>>
      tpu.wait_dma2 semaphore(%run_scoped3A : memref<!tpu.dma_semaphore, #tpu.memory_space<semaphore_mem>>) src(%arg6 : memref<128x128xf32, #tpu.memory_space<vmem>>) dst(%dma_wait3A_35 : memref<128x128xf32, #tpu.memory_space<vmem_shared>>)
      tpu.yield
    }) : () -> ()
    %add3A_19 = arith.constant 384 : i32
    %add3A_20 = arith.addi %mul3A_12, %add3A_19 : i32
    "tpu.region"() ({
      %run_scoped3A = tpu.sem_alloc : memref<!tpu.dma_semaphore, #tpu.memory_space<semaphore_mem>>
      %dma_start3A = arith.constant 0 : i32
      %dma_start3A_30 = tpu.memref_slice %arg7[%add3A_20, %dma_start3A] : memref<10240x128xf32, #tpu.memory_space<vmem_shared>> -> memref<128x128xf32, #tpu.memory_space<vmem_shared>>
      %dma_start3A_31 = arith.constant 0 : i32
      %dma_start3A_32 = tpu.memref_slice %arg7[%add3A_20, %dma_start3A_31] : memref<10240x128xf32, #tpu.memory_space<vmem_shared>> -> memref<128x128xf32, #tpu.memory_space<vmem_shared>>
      tpu.enqueue_dma source(%arg6 : memref<128x128xf32, #tpu.memory_space<vmem>>) target(%dma_start3A_32 : memref<128x128xf32, #tpu.memory_space<vmem_shared>>) target_semaphore(%run_scoped3A : memref<!tpu.dma_semaphore, #tpu.memory_space<semaphore_mem>>)
      %dma_wait3A = arith.constant 0 : i32
      %dma_wait3A_33 = tpu.memref_slice %arg7[%add3A_20, %dma_wait3A] : memref<10240x128xf32, #tpu.memory_space<vmem_shared>> -> memref<128x128xf32, #tpu.memory_space<vmem_shared>>
      %dma_wait3A_34 = arith.constant 0 : i32
      %dma_wait3A_35 = tpu.memref_slice %arg7[%add3A_20, %dma_wait3A_34] : memref<10240x128xf32, #tpu.memory_space<vmem_shared>> -> memref<128x128xf32, #tpu.memory_space<vmem_shared>>
      tpu.wait_dma2 semaphore(%run_scoped3A : memref<!tpu.dma_semaphore, #tpu.memory_space<semaphore_mem>>) src(%arg6 : memref<128x128xf32, #tpu.memory_space<vmem>>) dst(%dma_wait3A_35 : memref<128x128xf32, #tpu.memory_space<vmem_shared>>)
      tpu.yield
    }) : () -> ()
    %add3A_21 = arith.constant 512 : i32
    %add3A_22 = arith.addi %mul3A_12, %add3A_21 : i32
    "tpu.region"() ({
      %run_scoped3A = tpu.sem_alloc : memref<!tpu.dma_semaphore, #tpu.memory_space<semaphore_mem>>
      %dma_start3A = arith.constant 0 : i32
      %dma_start3A_30 = tpu.memref_slice %arg7[%add3A_22, %dma_start3A] : memref<10240x128xf32, #tpu.memory_space<vmem_shared>> -> memref<128x128xf32, #tpu.memory_space<vmem_shared>>
      %dma_start3A_31 = arith.constant 0 : i32
      %dma_start3A_32 = tpu.memref_slice %arg7[%add3A_22, %dma_start3A_31] : memref<10240x128xf32, #tpu.memory_space<vmem_shared>> -> memref<128x128xf32, #tpu.memory_space<vmem_shared>>
      tpu.enqueue_dma source(%arg6 : memref<128x128xf32, #tpu.memory_space<vmem>>) target(%dma_start3A_32 : memref<128x128xf32, #tpu.memory_space<vmem_shared>>) target_semaphore(%run_scoped3A : memref<!tpu.dma_semaphore, #tpu.memory_space<semaphore_mem>>)
      %dma_wait3A = arith.constant 0 : i32
      %dma_wait3A_33 = tpu.memref_slice %arg7[%add3A_22, %dma_wait3A] : memref<10240x128xf32, #tpu.memory_space<vmem_shared>> -> memref<128x128xf32, #tpu.memory_space<vmem_shared>>
      %dma_wait3A_34 = arith.constant 0 : i32
      %dma_wait3A_35 = tpu.memref_slice %arg7[%add3A_22, %dma_wait3A_34] : memref<10240x128xf32, #tpu.memory_space<vmem_shared>> -> memref<128x128xf32, #tpu.memory_space<vmem_shared>>
      tpu.wait_dma2 semaphore(%run_scoped3A : memref<!tpu.dma_semaphore, #tpu.memory_space<semaphore_mem>>) src(%arg6 : memref<128x128xf32, #tpu.memory_space<vmem>>) dst(%dma_wait3A_35 : memref<128x128xf32, #tpu.memory_space<vmem_shared>>)
      tpu.yield
    }) : () -> ()
    %barrier3A = arith.constant 0 : index
    tpu.barrier barrier_id(%barrier3A)
    %scan3A_23 = arith.constant 0 : i32
    %scan3A_24 = arith.constant 0 : i32
    %scan3A_25 = arith.constant 80 : i32
    %scan3A_26 = arith.addi %scan3A_24, %scan3A_25 : i32
    %scan3A_27 = arith.constant 1 : i32
    scf.for %scan3A_30 = %scan3A_24 to %scan3A_26 step %scan3A_27  : i32 {
      "tpu.region"() ({
        %run_scoped3A = tpu.sem_alloc : memref<!tpu.dma_semaphore, #tpu.memory_space<semaphore_mem>>
        %dma_start3A = arith.constant 0 : i32
        %dma_start3A_31 = tpu.memref_slice %arg4[%scan3A_30, %dma_start3A] : memref<80x128xi32, #tpu.memory_space<vmem>> -> memref<1x128xi32, #tpu.memory_space<vmem>>
        %dma_start3A_32 = tpu.memref_squeeze %dma_start3A_31 : memref<1x128xi32, #tpu.memory_space<vmem>> -> memref<128xi32, #tpu.memory_space<vmem>>
        %dma_start3A_33 = arith.constant 0 : i32
        %dma_start3A_34 = arith.constant 0 : i32
        %dma_start3A_35 = tpu.memref_slice %arg7[%dma_start3A_33, %dma_start3A_34] : memref<10240x128xf32, #tpu.memory_space<vmem_shared>> -> memref<10240x128xf32, #tpu.memory_space<vmem_shared>>
        tpu.enqueue_indirect_dma source(%arg5 : memref<128x128xf32, #tpu.memory_space<vmem>>) target(%dma_start3A_35 : memref<10240x128xf32, #tpu.memory_space<vmem_shared>>) offsets(%dma_start3A_32 : memref<128xi32, #tpu.memory_space<vmem>>) semaphore(%run_scoped3A : memref<!tpu.dma_semaphore, #tpu.memory_space<semaphore_mem>>) {add = true}
        %dma_wait3A = arith.constant 0 : i32
        %dma_wait3A_36 = tpu.memref_slice %arg4[%scan3A_30, %dma_wait3A] : memref<80x128xi32, #tpu.memory_space<vmem>> -> memref<1x128xi32, #tpu.memory_space<vmem>>
        %dma_wait3A_37 = tpu.memref_squeeze %dma_wait3A_36 : memref<1x128xi32, #tpu.memory_space<vmem>> -> memref<128xi32, #tpu.memory_space<vmem>>
        %dma_wait3A_38 = arith.constant 0 : i32
        %dma_wait3A_39 = arith.constant 0 : i32
        %dma_wait3A_40 = tpu.memref_slice %arg7[%dma_wait3A_38, %dma_wait3A_39] : memref<10240x128xf32, #tpu.memory_space<vmem_shared>> -> memref<10240x128xf32, #tpu.memory_space<vmem_shared>>
        tpu.wait_indirect_dma semaphore(%run_scoped3A : memref<!tpu.dma_semaphore, #tpu.memory_space<semaphore_mem>>) src(%arg5 : memref<128x128xf32, #tpu.memory_space<vmem>>) dst(%dma_wait3A_40 : memref<10240x128xf32, #tpu.memory_space<vmem_shared>>)
        tpu.yield
      }) : () -> ()
    }
    %scan3A_28 = arith.constant 80 : i32
    %barrier3A_29 = arith.constant 0 : index
    tpu.barrier barrier_id(%barrier3A_29)
    "tpu.region"() ({
      %run_scoped3A = tpu.sem_alloc : memref<!tpu.dma_semaphore, #tpu.memory_space<semaphore_mem>>
      %dma_start3A = arith.constant 0 : i32
      %dma_start3A_30 = tpu.memref_slice %arg3[%arg0, %mul3A_12, %dma_start3A] : memref<2x10240x128xf32, #tpu.memory_space<hbm>> -> memref<1x640x128xf32, #tpu.memory_space<hbm>>
      %dma_start3A_31 = tpu.memref_squeeze %dma_start3A_30 : memref<1x640x128xf32, #tpu.memory_space<hbm>> -> memref<640x128xf32, #tpu.memory_space<hbm>>
      %dma_start3A_32 = arith.constant 0 : i32
      %dma_start3A_33 = tpu.memref_slice %arg7[%mul3A_12, %dma_start3A_32] : memref<10240x128xf32, #tpu.memory_space<vmem_shared>> -> memref<640x128xf32, #tpu.memory_space<vmem_shared>>
      tpu.enqueue_dma source(%dma_start3A_33 : memref<640x128xf32, #tpu.memory_space<vmem_shared>>) target(%dma_start3A_31 : memref<640x128xf32, #tpu.memory_space<hbm>>) target_semaphore(%run_scoped3A : memref<!tpu.dma_semaphore, #tpu.memory_space<semaphore_mem>>)
      %dma_wait3A = arith.constant 0 : i32
      %dma_wait3A_34 = tpu.memref_slice %arg3[%arg0, %mul3A_12, %dma_wait3A] : memref<2x10240x128xf32, #tpu.memory_space<hbm>> -> memref<1x640x128xf32, #tpu.memory_space<hbm>>
      %dma_wait3A_35 = tpu.memref_squeeze %dma_wait3A_34 : memref<1x640x128xf32, #tpu.memory_space<hbm>> -> memref<640x128xf32, #tpu.memory_space<hbm>>
      %dma_wait3A_36 = arith.constant 0 : i32
      %dma_wait3A_37 = tpu.memref_slice %arg7[%mul3A_12, %dma_wait3A_36] : memref<10240x128xf32, #tpu.memory_space<vmem_shared>> -> memref<640x128xf32, #tpu.memory_space<vmem_shared>>
      tpu.wait_dma2 semaphore(%run_scoped3A : memref<!tpu.dma_semaphore, #tpu.memory_space<semaphore_mem>>) src(%dma_wait3A_37 : memref<640x128xf32, #tpu.memory_space<vmem_shared>>) dst(%dma_wait3A_35 : memref<640x128xf32, #tpu.memory_space<hbm>>)
      tpu.yield
    }) : () -> ()
    return
  }
}

#map = affine_map<(d0, d1) -> (0, 0)>
#map1 = affine_map<(d0, d1) -> (0, 0, 0)>
module attributes {stable_mosaic.version = 14 : i64} {
  func.func @_agg_kernel(%arg0: i32, %arg1: i32, %arg2: memref<10000x128xf32, #tpu.memory_space<hbm>>, %arg3: memref<2560x128xi32, #tpu.memory_space<hbm>>, %arg4: memref<2560x128xi32, #tpu.memory_space<hbm>>, %arg5: memref<2x10240x128xf32, #tpu.memory_space<hbm>>, %arg6: memref<8x128xi32, #tpu.memory_space<vmem>>, %arg7: memref<8x128xi32, #tpu.memory_space<vmem>>, %arg8: memref<128x128xf32, #tpu.memory_space<vmem>>, %arg9: memref<128x128xf32, #tpu.memory_space<vmem>>, %arg10: memref<10240x128xf32, #tpu.memory_space<vmem_shared>>, %arg11: memref<!tpu.dma_semaphore, #tpu.memory_space<semaphore_mem>>, %arg12: memref<!tpu.dma_semaphore, #tpu.memory_space<semaphore_mem>>) attributes {dimension_semantics = [#tpu.dimension_semantics<core_parallel>, #tpu.dimension_semantics<subcore_parallel>], iteration_bounds = array<i64: 2, 16>, scalar_prefetch = 0 : i64, scratch_operands = 7 : i64, tpu.core_type = #tpu.core_type<sc_vector_subcore>, window_params = [{transform_indices = #map}, {transform_indices = #map}, {transform_indices = #map}, {transform_indices = #map1}]} {
    %eq3A = arith.constant 0 : i32
    %eq3A_0 = arith.cmpi eq, %arg0, %eq3A : i32
    %jit3A = arith.constant 136 : i32
    %jit3A_1 = arith.constant 24 : i32
    %select_n3A = arith.select %eq3A_0, %jit3A, %jit3A_1 : i32
    %mul3A = arith.constant 136 : i32
    %mul3A_2 = arith.muli %arg1, %mul3A : i32
    %mul3A_3 = arith.constant 24 : i32
    %mul3A_4 = arith.muli %arg1, %mul3A_3 : i32
    %add3A = arith.constant 2176 : i32
    %add3A_5 = arith.addi %add3A, %mul3A_4 : i32
    %select_n3A_6 = arith.select %eq3A_0, %mul3A_2, %add3A_5 : i32
    %broadcast_in_dim3A = arith.constant 0.000000e+00 : f32
    %broadcast_in_dim3A_7 = vector.broadcast %broadcast_in_dim3A : f32 to vector<16xf32>
    %mul3A_8 = arith.constant 640 : i32
    %mul3A_9 = arith.muli %arg1, %mul3A_8 : i32
    %scan3A = arith.constant 0 : i32
    %scan3A_10 = arith.constant 0 : i32
    %scan3A_11 = arith.constant 128 : i32
    %scan3A_12 = arith.addi %scan3A_10, %scan3A_11 : i32
    %scan3A_13 = arith.constant 1 : i32
    scf.for %scan3A_53 = %scan3A_10 to %scan3A_12 step %scan3A_13  : i32 {
      %swap3A = arith.index_cast %scan3A_53 : i32 to index
      %swap3A_54 = arith.constant 0 : index
      %swap3A_55 = tpu.vector_load %arg8[%swap3A, %swap3A_54] {strides = array<i32>} : memref<128x128xf32, #tpu.memory_space<vmem>>, vector<1x16xf32>,
      %swap3A_56 = vector.shape_cast %swap3A_55 : vector<1x16xf32> to vector<16xf32>
      %swap3A_57 = vector.shape_cast %broadcast_in_dim3A_7 : vector<16xf32> to vector<1x16xf32>
      tpu.vector_store %arg8[%swap3A, %swap3A_54], %swap3A_57 {strides = array<i32>} : memref<128x128xf32, #tpu.memory_space<vmem>>, vector<1x16xf32>,
      %swap3A_58 = arith.index_cast %scan3A_53 : i32 to index
      %swap3A_59 = arith.constant 16 : index
      %swap3A_60 = tpu.vector_load %arg8[%swap3A_58, %swap3A_59] {strides = array<i32>} : memref<128x128xf32, #tpu.memory_space<vmem>>, vector<1x16xf32>,
      %swap3A_61 = vector.shape_cast %swap3A_60 : vector<1x16xf32> to vector<16xf32>
      %swap3A_62 = vector.shape_cast %broadcast_in_dim3A_7 : vector<16xf32> to vector<1x16xf32>
      tpu.vector_store %arg8[%swap3A_58, %swap3A_59], %swap3A_62 {strides = array<i32>} : memref<128x128xf32, #tpu.memory_space<vmem>>, vector<1x16xf32>,
      %swap3A_63 = arith.index_cast %scan3A_53 : i32 to index
      %swap3A_64 = arith.constant 32 : index
      %swap3A_65 = tpu.vector_load %arg8[%swap3A_63, %swap3A_64] {strides = array<i32>} : memref<128x128xf32, #tpu.memory_space<vmem>>, vector<1x16xf32>,
      %swap3A_66 = vector.shape_cast %swap3A_65 : vector<1x16xf32> to vector<16xf32>
      %swap3A_67 = vector.shape_cast %broadcast_in_dim3A_7 : vector<16xf32> to vector<1x16xf32>
      tpu.vector_store %arg8[%swap3A_63, %swap3A_64], %swap3A_67 {strides = array<i32>} : memref<128x128xf32, #tpu.memory_space<vmem>>, vector<1x16xf32>,
      %swap3A_68 = arith.index_cast %scan3A_53 : i32 to index
      %swap3A_69 = arith.constant 48 : index
      %swap3A_70 = tpu.vector_load %arg8[%swap3A_68, %swap3A_69] {strides = array<i32>} : memref<128x128xf32, #tpu.memory_space<vmem>>, vector<1x16xf32>,
      %swap3A_71 = vector.shape_cast %swap3A_70 : vector<1x16xf32> to vector<16xf32>
      %swap3A_72 = vector.shape_cast %broadcast_in_dim3A_7 : vector<16xf32> to vector<1x16xf32>
      tpu.vector_store %arg8[%swap3A_68, %swap3A_69], %swap3A_72 {strides = array<i32>} : memref<128x128xf32, #tpu.memory_space<vmem>>, vector<1x16xf32>,
      %swap3A_73 = arith.index_cast %scan3A_53 : i32 to index
      %swap3A_74 = arith.constant 64 : index
      %swap3A_75 = tpu.vector_load %arg8[%swap3A_73, %swap3A_74] {strides = array<i32>} : memref<128x128xf32, #tpu.memory_space<vmem>>, vector<1x16xf32>,
      %swap3A_76 = vector.shape_cast %swap3A_75 : vector<1x16xf32> to vector<16xf32>
      %swap3A_77 = vector.shape_cast %broadcast_in_dim3A_7 : vector<16xf32> to vector<1x16xf32>
      tpu.vector_store %arg8[%swap3A_73, %swap3A_74], %swap3A_77 {strides = array<i32>} : memref<128x128xf32, #tpu.memory_space<vmem>>, vector<1x16xf32>,
      %swap3A_78 = arith.index_cast %scan3A_53 : i32 to index
      %swap3A_79 = arith.constant 80 : index
      %swap3A_80 = tpu.vector_load %arg8[%swap3A_78, %swap3A_79] {strides = array<i32>} : memref<128x128xf32, #tpu.memory_space<vmem>>, vector<1x16xf32>,
      %swap3A_81 = vector.shape_cast %swap3A_80 : vector<1x16xf32> to vector<16xf32>
      %swap3A_82 = vector.shape_cast %broadcast_in_dim3A_7 : vector<16xf32> to vector<1x16xf32>
      tpu.vector_store %arg8[%swap3A_78, %swap3A_79], %swap3A_82 {strides = array<i32>} : memref<128x128xf32, #tpu.memory_space<vmem>>, vector<1x16xf32>,
      %swap3A_83 = arith.index_cast %scan3A_53 : i32 to index
      %swap3A_84 = arith.constant 96 : index
      %swap3A_85 = tpu.vector_load %arg8[%swap3A_83, %swap3A_84] {strides = array<i32>} : memref<128x128xf32, #tpu.memory_space<vmem>>, vector<1x16xf32>,
      %swap3A_86 = vector.shape_cast %swap3A_85 : vector<1x16xf32> to vector<16xf32>
      %swap3A_87 = vector.shape_cast %broadcast_in_dim3A_7 : vector<16xf32> to vector<1x16xf32>
      tpu.vector_store %arg8[%swap3A_83, %swap3A_84], %swap3A_87 {strides = array<i32>} : memref<128x128xf32, #tpu.memory_space<vmem>>, vector<1x16xf32>,
      %swap3A_88 = arith.index_cast %scan3A_53 : i32 to index
      %swap3A_89 = arith.constant 112 : index
      %swap3A_90 = tpu.vector_load %arg8[%swap3A_88, %swap3A_89] {strides = array<i32>} : memref<128x128xf32, #tpu.memory_space<vmem>>, vector<1x16xf32>,
      %swap3A_91 = vector.shape_cast %swap3A_90 : vector<1x16xf32> to vector<16xf32>
      %swap3A_92 = vector.shape_cast %broadcast_in_dim3A_7 : vector<16xf32> to vector<1x16xf32>
      tpu.vector_store %arg8[%swap3A_88, %swap3A_89], %swap3A_92 {strides = array<i32>} : memref<128x128xf32, #tpu.memory_space<vmem>>, vector<1x16xf32>,
    }
    %scan3A_14 = arith.constant 128 : i32
    %add3A_15 = arith.constant 0 : i32
    %add3A_16 = arith.addi %mul3A_9, %add3A_15 : i32
    "tpu.region"() ({
      %run_scoped3A = tpu.sem_alloc : memref<!tpu.dma_semaphore, #tpu.memory_space<semaphore_mem>>
      %dma_start3A = arith.constant 0 : i32
      %dma_start3A_53 = tpu.memref_slice %arg10[%add3A_16, %dma_start3A] : memref<10240x128xf32, #tpu.memory_space<vmem_shared>> -> memref<128x128xf32, #tpu.memory_space<vmem_shared>>
      %dma_start3A_54 = arith.constant 0 : i32
      %dma_start3A_55 = tpu.memref_slice %arg10[%add3A_16, %dma_start3A_54] : memref<10240x128xf32, #tpu.memory_space<vmem_shared>> -> memref<128x128xf32, #tpu.memory_space<vmem_shared>>
      tpu.enqueue_dma source(%arg8 : memref<128x128xf32, #tpu.memory_space<vmem>>) target(%dma_start3A_55 : memref<128x128xf32, #tpu.memory_space<vmem_shared>>) target_semaphore(%run_scoped3A : memref<!tpu.dma_semaphore, #tpu.memory_space<semaphore_mem>>)
      %dma_wait3A = arith.constant 0 : i32
      %dma_wait3A_56 = tpu.memref_slice %arg10[%add3A_16, %dma_wait3A] : memref<10240x128xf32, #tpu.memory_space<vmem_shared>> -> memref<128x128xf32, #tpu.memory_space<vmem_shared>>
      %dma_wait3A_57 = arith.constant 0 : i32
      %dma_wait3A_58 = tpu.memref_slice %arg10[%add3A_16, %dma_wait3A_57] : memref<10240x128xf32, #tpu.memory_space<vmem_shared>> -> memref<128x128xf32, #tpu.memory_space<vmem_shared>>
      tpu.wait_dma2 semaphore(%run_scoped3A : memref<!tpu.dma_semaphore, #tpu.memory_space<semaphore_mem>>) src(%arg8 : memref<128x128xf32, #tpu.memory_space<vmem>>) dst(%dma_wait3A_58 : memref<128x128xf32, #tpu.memory_space<vmem_shared>>)
      tpu.yield
    }) : () -> ()
    %add3A_17 = arith.constant 128 : i32
    %add3A_18 = arith.addi %mul3A_9, %add3A_17 : i32
    "tpu.region"() ({
      %run_scoped3A = tpu.sem_alloc : memref<!tpu.dma_semaphore, #tpu.memory_space<semaphore_mem>>
      %dma_start3A = arith.constant 0 : i32
      %dma_start3A_53 = tpu.memref_slice %arg10[%add3A_18, %dma_start3A] : memref<10240x128xf32, #tpu.memory_space<vmem_shared>> -> memref<128x128xf32, #tpu.memory_space<vmem_shared>>
      %dma_start3A_54 = arith.constant 0 : i32
      %dma_start3A_55 = tpu.memref_slice %arg10[%add3A_18, %dma_start3A_54] : memref<10240x128xf32, #tpu.memory_space<vmem_shared>> -> memref<128x128xf32, #tpu.memory_space<vmem_shared>>
      tpu.enqueue_dma source(%arg8 : memref<128x128xf32, #tpu.memory_space<vmem>>) target(%dma_start3A_55 : memref<128x128xf32, #tpu.memory_space<vmem_shared>>) target_semaphore(%run_scoped3A : memref<!tpu.dma_semaphore, #tpu.memory_space<semaphore_mem>>)
      %dma_wait3A = arith.constant 0 : i32
      %dma_wait3A_56 = tpu.memref_slice %arg10[%add3A_18, %dma_wait3A] : memref<10240x128xf32, #tpu.memory_space<vmem_shared>> -> memref<128x128xf32, #tpu.memory_space<vmem_shared>>
      %dma_wait3A_57 = arith.constant 0 : i32
      %dma_wait3A_58 = tpu.memref_slice %arg10[%add3A_18, %dma_wait3A_57] : memref<10240x128xf32, #tpu.memory_space<vmem_shared>> -> memref<128x128xf32, #tpu.memory_space<vmem_shared>>
      tpu.wait_dma2 semaphore(%run_scoped3A : memref<!tpu.dma_semaphore, #tpu.memory_space<semaphore_mem>>) src(%arg8 : memref<128x128xf32, #tpu.memory_space<vmem>>) dst(%dma_wait3A_58 : memref<128x128xf32, #tpu.memory_space<vmem_shared>>)
      tpu.yield
    }) : () -> ()
    %add3A_19 = arith.constant 256 : i32
    %add3A_20 = arith.addi %mul3A_9, %add3A_19 : i32
    "tpu.region"() ({
      %run_scoped3A = tpu.sem_alloc : memref<!tpu.dma_semaphore, #tpu.memory_space<semaphore_mem>>
      %dma_start3A = arith.constant 0 : i32
      %dma_start3A_53 = tpu.memref_slice %arg10[%add3A_20, %dma_start3A] : memref<10240x128xf32, #tpu.memory_space<vmem_shared>> -> memref<128x128xf32, #tpu.memory_space<vmem_shared>>
      %dma_start3A_54 = arith.constant 0 : i32
      %dma_start3A_55 = tpu.memref_slice %arg10[%add3A_20, %dma_start3A_54] : memref<10240x128xf32, #tpu.memory_space<vmem_shared>> -> memref<128x128xf32, #tpu.memory_space<vmem_shared>>
      tpu.enqueue_dma source(%arg8 : memref<128x128xf32, #tpu.memory_space<vmem>>) target(%dma_start3A_55 : memref<128x128xf32, #tpu.memory_space<vmem_shared>>) target_semaphore(%run_scoped3A : memref<!tpu.dma_semaphore, #tpu.memory_space<semaphore_mem>>)
      %dma_wait3A = arith.constant 0 : i32
      %dma_wait3A_56 = tpu.memref_slice %arg10[%add3A_20, %dma_wait3A] : memref<10240x128xf32, #tpu.memory_space<vmem_shared>> -> memref<128x128xf32, #tpu.memory_space<vmem_shared>>
      %dma_wait3A_57 = arith.constant 0 : i32
      %dma_wait3A_58 = tpu.memref_slice %arg10[%add3A_20, %dma_wait3A_57] : memref<10240x128xf32, #tpu.memory_space<vmem_shared>> -> memref<128x128xf32, #tpu.memory_space<vmem_shared>>
      tpu.wait_dma2 semaphore(%run_scoped3A : memref<!tpu.dma_semaphore, #tpu.memory_space<semaphore_mem>>) src(%arg8 : memref<128x128xf32, #tpu.memory_space<vmem>>) dst(%dma_wait3A_58 : memref<128x128xf32, #tpu.memory_space<vmem_shared>>)
      tpu.yield
    }) : () -> ()
    %add3A_21 = arith.constant 384 : i32
    %add3A_22 = arith.addi %mul3A_9, %add3A_21 : i32
    "tpu.region"() ({
      %run_scoped3A = tpu.sem_alloc : memref<!tpu.dma_semaphore, #tpu.memory_space<semaphore_mem>>
      %dma_start3A = arith.constant 0 : i32
      %dma_start3A_53 = tpu.memref_slice %arg10[%add3A_22, %dma_start3A] : memref<10240x128xf32, #tpu.memory_space<vmem_shared>> -> memref<128x128xf32, #tpu.memory_space<vmem_shared>>
      %dma_start3A_54 = arith.constant 0 : i32
      %dma_start3A_55 = tpu.memref_slice %arg10[%add3A_22, %dma_start3A_54] : memref<10240x128xf32, #tpu.memory_space<vmem_shared>> -> memref<128x128xf32, #tpu.memory_space<vmem_shared>>
      tpu.enqueue_dma source(%arg8 : memref<128x128xf32, #tpu.memory_space<vmem>>) target(%dma_start3A_55 : memref<128x128xf32, #tpu.memory_space<vmem_shared>>) target_semaphore(%run_scoped3A : memref<!tpu.dma_semaphore, #tpu.memory_space<semaphore_mem>>)
      %dma_wait3A = arith.constant 0 : i32
      %dma_wait3A_56 = tpu.memref_slice %arg10[%add3A_22, %dma_wait3A] : memref<10240x128xf32, #tpu.memory_space<vmem_shared>> -> memref<128x128xf32, #tpu.memory_space<vmem_shared>>
      %dma_wait3A_57 = arith.constant 0 : i32
      %dma_wait3A_58 = tpu.memref_slice %arg10[%add3A_22, %dma_wait3A_57] : memref<10240x128xf32, #tpu.memory_space<vmem_shared>> -> memref<128x128xf32, #tpu.memory_space<vmem_shared>>
      tpu.wait_dma2 semaphore(%run_scoped3A : memref<!tpu.dma_semaphore, #tpu.memory_space<semaphore_mem>>) src(%arg8 : memref<128x128xf32, #tpu.memory_space<vmem>>) dst(%dma_wait3A_58 : memref<128x128xf32, #tpu.memory_space<vmem_shared>>)
      tpu.yield
    }) : () -> ()
    %add3A_23 = arith.constant 512 : i32
    %add3A_24 = arith.addi %mul3A_9, %add3A_23 : i32
    "tpu.region"() ({
      %run_scoped3A = tpu.sem_alloc : memref<!tpu.dma_semaphore, #tpu.memory_space<semaphore_mem>>
      %dma_start3A = arith.constant 0 : i32
      %dma_start3A_53 = tpu.memref_slice %arg10[%add3A_24, %dma_start3A] : memref<10240x128xf32, #tpu.memory_space<vmem_shared>> -> memref<128x128xf32, #tpu.memory_space<vmem_shared>>
      %dma_start3A_54 = arith.constant 0 : i32
      %dma_start3A_55 = tpu.memref_slice %arg10[%add3A_24, %dma_start3A_54] : memref<10240x128xf32, #tpu.memory_space<vmem_shared>> -> memref<128x128xf32, #tpu.memory_space<vmem_shared>>
      tpu.enqueue_dma source(%arg8 : memref<128x128xf32, #tpu.memory_space<vmem>>) target(%dma_start3A_55 : memref<128x128xf32, #tpu.memory_space<vmem_shared>>) target_semaphore(%run_scoped3A : memref<!tpu.dma_semaphore, #tpu.memory_space<semaphore_mem>>)
      %dma_wait3A = arith.constant 0 : i32
      %dma_wait3A_56 = tpu.memref_slice %arg10[%add3A_24, %dma_wait3A] : memref<10240x128xf32, #tpu.memory_space<vmem_shared>> -> memref<128x128xf32, #tpu.memory_space<vmem_shared>>
      %dma_wait3A_57 = arith.constant 0 : i32
      %dma_wait3A_58 = tpu.memref_slice %arg10[%add3A_24, %dma_wait3A_57] : memref<10240x128xf32, #tpu.memory_space<vmem_shared>> -> memref<128x128xf32, #tpu.memory_space<vmem_shared>>
      tpu.wait_dma2 semaphore(%run_scoped3A : memref<!tpu.dma_semaphore, #tpu.memory_space<semaphore_mem>>) src(%arg8 : memref<128x128xf32, #tpu.memory_space<vmem>>) dst(%dma_wait3A_58 : memref<128x128xf32, #tpu.memory_space<vmem_shared>>)
      tpu.yield
    }) : () -> ()
    %barrier3A = arith.constant 0 : index
    tpu.barrier barrier_id(%barrier3A)
    %jit3A_25 = arith.constant 8 : i32
    %div3A = arith.divsi %select_n3A, %jit3A_25 : i32
    %sign3A = arith.constant 0 : i32
    %sign3A_26 = arith.cmpi sgt, %select_n3A, %sign3A : i32
    %sign3A_27 = arith.extui %sign3A_26 : i1 to i32
    %sign3A_28 = arith.constant 0 : i32
    %sign3A_29 = arith.cmpi slt, %select_n3A, %sign3A_28 : i32
    %sign3A_30 = arith.extui %sign3A_29 : i1 to i32
    %sign3A_31 = arith.subi %sign3A_27, %sign3A_30 : i32
    %sign3A_32 = arith.constant 0 : i32
    %sign3A_33 = arith.cmpi sgt, %jit3A_25, %sign3A_32 : i32
    %sign3A_34 = arith.extui %sign3A_33 : i1 to i32
    %sign3A_35 = arith.constant 0 : i32
    %sign3A_36 = arith.cmpi slt, %jit3A_25, %sign3A_35 : i32
    %sign3A_37 = arith.extui %sign3A_36 : i1 to i32
    %sign3A_38 = arith.subi %sign3A_34, %sign3A_37 : i32
    %ne3A = arith.cmpi ne, %sign3A_31, %sign3A_38 : i32
    %rem3A = arith.remsi %select_n3A, %jit3A_25 : i32
    %ne3A_39 = arith.constant 0 : i32
    %ne3A_40 = arith.cmpi ne, %rem3A, %ne3A_39 : i32
    %and3A = arith.andi %ne3A, %ne3A_40 : i1
    %sub3A = arith.constant 1 : i32
    %sub3A_41 = arith.subi %div3A, %sub3A : i32
    %select_n3A_42 = arith.select %and3A, %sub3A_41, %div3A : i32
    %while3A = arith.constant 0 : i32
    %while3A_43 = arith.constant 0 : i32
    %while3A_44 = arith.subi %select_n3A_42, %while3A_43 : i32
    %while3A_45 = arith.addi %while3A_43, %while3A_44 : i32
    %while3A_46 = arith.constant 1 : i32
    %while3A_47 = arith.divsi %while3A_44, %while3A_46 : i32
    %while3A_48 = arith.muli %while3A_47, %while3A_46 : i32
    %while3A_49 = arith.addi %while3A_43, %while3A_48 : i32
    %while3A_50 = arith.constant 1 : i32
    scf.for %while3A_53 = %while3A_43 to %while3A_49 step %while3A_50  : i32 {
      %mul3A_54 = arith.constant 8 : i32
      %mul3A_55 = arith.muli %while3A_53, %mul3A_54 : i32
      %add3A_56 = arith.addi %select_n3A_6, %mul3A_55 : i32
      "tpu.region"() ({
        %run_scoped3A = tpu.sem_alloc : memref<!tpu.dma_semaphore, #tpu.memory_space<semaphore_mem>>
        %dma_start3A_82 = arith.constant 0 : i32
        %dma_start3A_83 = tpu.memref_slice %arg3[%add3A_56, %dma_start3A_82] : memref<2560x128xi32, #tpu.memory_space<hbm>> -> memref<8x128xi32, #tpu.memory_space<hbm>>
        %dma_start3A_84 = arith.constant 0 : i32
        %dma_start3A_85 = tpu.memref_slice %arg3[%add3A_56, %dma_start3A_84] : memref<2560x128xi32, #tpu.memory_space<hbm>> -> memref<8x128xi32, #tpu.memory_space<hbm>>
        tpu.enqueue_dma source(%dma_start3A_85 : memref<8x128xi32, #tpu.memory_space<hbm>>) target(%arg6 : memref<8x128xi32, #tpu.memory_space<vmem>>) target_semaphore(%run_scoped3A : memref<!tpu.dma_semaphore, #tpu.memory_space<semaphore_mem>>)
        %dma_wait3A = arith.constant 0 : i32
        %dma_wait3A_86 = tpu.memref_slice %arg3[%add3A_56, %dma_wait3A] : memref<2560x128xi32, #tpu.memory_space<hbm>> -> memref<8x128xi32, #tpu.memory_space<hbm>>
        %dma_wait3A_87 = arith.constant 0 : i32
        %dma_wait3A_88 = tpu.memref_slice %arg3[%add3A_56, %dma_wait3A_87] : memref<2560x128xi32, #tpu.memory_space<hbm>> -> memref<8x128xi32, #tpu.memory_space<hbm>>
        tpu.wait_dma2 semaphore(%run_scoped3A : memref<!tpu.dma_semaphore, #tpu.memory_space<semaphore_mem>>) src(%dma_wait3A_88 : memref<8x128xi32, #tpu.memory_space<hbm>>) dst(%arg6 : memref<8x128xi32, #tpu.memory_space<vmem>>)
        tpu.yield
      }) : () -> ()
      "tpu.region"() ({
        %run_scoped3A = tpu.sem_alloc : memref<!tpu.dma_semaphore, #tpu.memory_space<semaphore_mem>>
        %dma_start3A_82 = arith.constant 0 : i32
        %dma_start3A_83 = tpu.memref_slice %arg4[%add3A_56, %dma_start3A_82] : memref<2560x128xi32, #tpu.memory_space<hbm>> -> memref<8x128xi32, #tpu.memory_space<hbm>>
        %dma_start3A_84 = arith.constant 0 : i32
        %dma_start3A_85 = tpu.memref_slice %arg4[%add3A_56, %dma_start3A_84] : memref<2560x128xi32, #tpu.memory_space<hbm>> -> memref<8x128xi32, #tpu.memory_space<hbm>>
        tpu.enqueue_dma source(%dma_start3A_85 : memref<8x128xi32, #tpu.memory_space<hbm>>) target(%arg7 : memref<8x128xi32, #tpu.memory_space<vmem>>) target_semaphore(%run_scoped3A : memref<!tpu.dma_semaphore, #tpu.memory_space<semaphore_mem>>)
        %dma_wait3A = arith.constant 0 : i32
        %dma_wait3A_86 = tpu.memref_slice %arg4[%add3A_56, %dma_wait3A] : memref<2560x128xi32, #tpu.memory_space<hbm>> -> memref<8x128xi32, #tpu.memory_space<hbm>>
        %dma_wait3A_87 = arith.constant 0 : i32
        %dma_wait3A_88 = tpu.memref_slice %arg4[%add3A_56, %dma_wait3A_87] : memref<2560x128xi32, #tpu.memory_space<hbm>> -> memref<8x128xi32, #tpu.memory_space<hbm>>
        tpu.wait_dma2 semaphore(%run_scoped3A : memref<!tpu.dma_semaphore, #tpu.memory_space<semaphore_mem>>) src(%dma_wait3A_88 : memref<8x128xi32, #tpu.memory_space<hbm>>) dst(%arg7 : memref<8x128xi32, #tpu.memory_space<vmem>>)
        tpu.yield
      }) : () -> ()
      %dma_start3A = arith.constant 0 : i32
      %dma_start3A_57 = arith.constant 0 : i32
      %dma_start3A_58 = arith.constant 0 : i32
      %dma_start3A_59 = tpu.memref_slice %arg8[%dma_start3A_57, %dma_start3A_58] : memref<128x128xf32, #tpu.memory_space<vmem>> -> memref<64x128xf32, #tpu.memory_space<vmem>>
      %dma_start3A_60 = arith.constant 0 : i32
      %dma_start3A_61 = tpu.memref_slice %arg6[%dma_start3A, %dma_start3A_60] : memref<8x128xi32, #tpu.memory_space<vmem>> -> memref<1x64xi32, #tpu.memory_space<vmem>>
      %dma_start3A_62 = tpu.memref_squeeze %dma_start3A_61 : memref<1x64xi32, #tpu.memory_space<vmem>> -> memref<64xi32, #tpu.memory_space<vmem>>
      %dma_start3A_63 = arith.constant 0 : i32
      %dma_start3A_64 = arith.constant 0 : i32
      %dma_start3A_65 = tpu.memref_slice %arg2[%dma_start3A_63, %dma_start3A_64] : memref<10000x128xf32, #tpu.memory_space<hbm>> -> memref<10000x128xf32, #tpu.memory_space<hbm>>
      tpu.enqueue_indirect_dma source(%dma_start3A_65 : memref<10000x128xf32, #tpu.memory_space<hbm>>) target(%dma_start3A_59 : memref<64x128xf32, #tpu.memory_space<vmem>>) offsets(%dma_start3A_62 : memref<64xi32, #tpu.memory_space<vmem>>) semaphore(%arg11 : memref<!tpu.dma_semaphore, #tpu.memory_space<semaphore_mem>>)
      %dma_start3A_66 = arith.constant 0 : i32
      %dma_start3A_67 = arith.constant 64 : i32
      %dma_start3A_68 = arith.constant 0 : i32
      %dma_start3A_69 = tpu.memref_slice %arg8[%dma_start3A_67, %dma_start3A_68] : memref<128x128xf32, #tpu.memory_space<vmem>> -> memref<64x128xf32, #tpu.memory_space<vmem>>
      %dma_start3A_70 = arith.constant 64 : i32
      %dma_start3A_71 = tpu.memref_slice %arg6[%dma_start3A_66, %dma_start3A_70] : memref<8x128xi32, #tpu.memory_space<vmem>> -> memref<1x64xi32, #tpu.memory_space<vmem>>
      %dma_start3A_72 = tpu.memref_squeeze %dma_start3A_71 : memref<1x64xi32, #tpu.memory_space<vmem>> -> memref<64xi32, #tpu.memory_space<vmem>>
      %dma_start3A_73 = arith.constant 0 : i32
      %dma_start3A_74 = arith.constant 0 : i32
      %dma_start3A_75 = tpu.memref_slice %arg2[%dma_start3A_73, %dma_start3A_74] : memref<10000x128xf32, #tpu.memory_space<hbm>> -> memref<10000x128xf32, #tpu.memory_space<hbm>>
      tpu.enqueue_indirect_dma source(%dma_start3A_75 : memref<10000x128xf32, #tpu.memory_space<hbm>>) target(%dma_start3A_69 : memref<64x128xf32, #tpu.memory_space<vmem>>) offsets(%dma_start3A_72 : memref<64xi32, #tpu.memory_space<vmem>>) semaphore(%arg11 : memref<!tpu.dma_semaphore, #tpu.memory_space<semaphore_mem>>)
      %scan3A_76 = arith.constant 0 : i32
      %scan3A_77 = arith.constant 0 : i32
      %scan3A_78 = arith.constant 4 : i32
      %scan3A_79 = arith.addi %scan3A_77, %scan3A_78 : i32
      %scan3A_80 = arith.constant 1 : i32
      scf.for %scan3A_82 = %scan3A_77 to %scan3A_79 step %scan3A_80  : i32 {
        %mul3A_83 = arith.constant 2 : i32
        %mul3A_84 = arith.muli %mul3A_83, %scan3A_82 : i32
        %add3A_85 = arith.constant 1 : i32
        %add3A_86 = arith.addi %mul3A_84, %add3A_85 : i32
        %dma_start3A_87 = arith.constant 0 : i32
        %dma_start3A_88 = arith.constant 0 : i32
        %dma_start3A_89 = tpu.memref_slice %arg9[%dma_start3A_87, %dma_start3A_88] : memref<128x128xf32, #tpu.memory_space<vmem>> -> memref<64x128xf32, #tpu.memory_space<vmem>>
        %dma_start3A_90 = arith.constant 0 : i32
        %dma_start3A_91 = tpu.memref_slice %arg6[%add3A_86, %dma_start3A_90] : memref<8x128xi32, #tpu.memory_space<vmem>> -> memref<1x64xi32, #tpu.memory_space<vmem>>
        %dma_start3A_92 = tpu.memref_squeeze %dma_start3A_91 : memref<1x64xi32, #tpu.memory_space<vmem>> -> memref<64xi32, #tpu.memory_space<vmem>>
        %dma_start3A_93 = arith.constant 0 : i32
        %dma_start3A_94 = arith.constant 0 : i32
        %dma_start3A_95 = tpu.memref_slice %arg2[%dma_start3A_93, %dma_start3A_94] : memref<10000x128xf32, #tpu.memory_space<hbm>> -> memref<10000x128xf32, #tpu.memory_space<hbm>>
        tpu.enqueue_indirect_dma source(%dma_start3A_95 : memref<10000x128xf32, #tpu.memory_space<hbm>>) target(%dma_start3A_89 : memref<64x128xf32, #tpu.memory_space<vmem>>) offsets(%dma_start3A_92 : memref<64xi32, #tpu.memory_space<vmem>>) semaphore(%arg12 : memref<!tpu.dma_semaphore, #tpu.memory_space<semaphore_mem>>)
        %dma_start3A_96 = arith.constant 64 : i32
        %dma_start3A_97 = arith.constant 0 : i32
        %dma_start3A_98 = tpu.memref_slice %arg9[%dma_start3A_96, %dma_start3A_97] : memref<128x128xf32, #tpu.memory_space<vmem>> -> memref<64x128xf32, #tpu.memory_space<vmem>>
        %dma_start3A_99 = arith.constant 64 : i32
        %dma_start3A_100 = tpu.memref_slice %arg6[%add3A_86, %dma_start3A_99] : memref<8x128xi32, #tpu.memory_space<vmem>> -> memref<1x64xi32, #tpu.memory_space<vmem>>
        %dma_start3A_101 = tpu.memref_squeeze %dma_start3A_100 : memref<1x64xi32, #tpu.memory_space<vmem>> -> memref<64xi32, #tpu.memory_space<vmem>>
        %dma_start3A_102 = arith.constant 0 : i32
        %dma_start3A_103 = arith.constant 0 : i32
        %dma_start3A_104 = tpu.memref_slice %arg2[%dma_start3A_102, %dma_start3A_103] : memref<10000x128xf32, #tpu.memory_space<hbm>> -> memref<10000x128xf32, #tpu.memory_space<hbm>>
        tpu.enqueue_indirect_dma source(%dma_start3A_104 : memref<10000x128xf32, #tpu.memory_space<hbm>>) target(%dma_start3A_98 : memref<64x128xf32, #tpu.memory_space<vmem>>) offsets(%dma_start3A_101 : memref<64xi32, #tpu.memory_space<vmem>>) semaphore(%arg12 : memref<!tpu.dma_semaphore, #tpu.memory_space<semaphore_mem>>)
        %dma_wait3A = arith.constant 0 : i32
        %dma_wait3A_105 = tpu.memref_slice %arg6[%mul3A_84, %dma_wait3A] : memref<8x128xi32, #tpu.memory_space<vmem>> -> memref<1x128xi32, #tpu.memory_space<vmem>>
        %dma_wait3A_106 = tpu.memref_squeeze %dma_wait3A_105 : memref<1x128xi32, #tpu.memory_space<vmem>> -> memref<128xi32, #tpu.memory_space<vmem>>
        %dma_wait3A_107 = arith.constant 0 : i32
        %dma_wait3A_108 = arith.constant 0 : i32
        %dma_wait3A_109 = tpu.memref_slice %arg2[%dma_wait3A_107, %dma_wait3A_108] : memref<10000x128xf32, #tpu.memory_space<hbm>> -> memref<10000x128xf32, #tpu.memory_space<hbm>>
        tpu.wait_indirect_dma semaphore(%arg11 : memref<!tpu.dma_semaphore, #tpu.memory_space<semaphore_mem>>) src(%dma_wait3A_109 : memref<10000x128xf32, #tpu.memory_space<hbm>>) dst(%arg8 : memref<128x128xf32, #tpu.memory_space<vmem>>)
        "tpu.region"() ({
          %run_scoped3A = tpu.sem_alloc : memref<!tpu.dma_semaphore, #tpu.memory_space<semaphore_mem>>
          %dma_start3A_122 = arith.constant 0 : i32
          %dma_start3A_123 = tpu.memref_slice %arg7[%mul3A_84, %dma_start3A_122] : memref<8x128xi32, #tpu.memory_space<vmem>> -> memref<1x128xi32, #tpu.memory_space<vmem>>
          %dma_start3A_124 = tpu.memref_squeeze %dma_start3A_123 : memref<1x128xi32, #tpu.memory_space<vmem>> -> memref<128xi32, #tpu.memory_space<vmem>>
          %dma_start3A_125 = arith.constant 0 : i32
          %dma_start3A_126 = arith.constant 0 : i32
          %dma_start3A_127 = tpu.memref_slice %arg10[%dma_start3A_125, %dma_start3A_126] : memref<10240x128xf32, #tpu.memory_space<vmem_shared>> -> memref<10240x128xf32, #tpu.memory_space<vmem_shared>>
          tpu.enqueue_indirect_dma source(%arg8 : memref<128x128xf32, #tpu.memory_space<vmem>>) target(%dma_start3A_127 : memref<10240x128xf32, #tpu.memory_space<vmem_shared>>) offsets(%dma_start3A_124 : memref<128xi32, #tpu.memory_space<vmem>>) semaphore(%run_scoped3A : memref<!tpu.dma_semaphore, #tpu.memory_space<semaphore_mem>>) {add = true}
          %dma_wait3A_128 = arith.constant 0 : i32
          %dma_wait3A_129 = tpu.memref_slice %arg7[%mul3A_84, %dma_wait3A_128] : memref<8x128xi32, #tpu.memory_space<vmem>> -> memref<1x128xi32, #tpu.memory_space<vmem>>
          %dma_wait3A_130 = tpu.memref_squeeze %dma_wait3A_129 : memref<1x128xi32, #tpu.memory_space<vmem>> -> memref<128xi32, #tpu.memory_space<vmem>>
          %dma_wait3A_131 = arith.constant 0 : i32
          %dma_wait3A_132 = arith.constant 0 : i32
          %dma_wait3A_133 = tpu.memref_slice %arg10[%dma_wait3A_131, %dma_wait3A_132] : memref<10240x128xf32, #tpu.memory_space<vmem_shared>> -> memref<10240x128xf32, #tpu.memory_space<vmem_shared>>
          tpu.wait_indirect_dma semaphore(%run_scoped3A : memref<!tpu.dma_semaphore, #tpu.memory_space<semaphore_mem>>) src(%arg8 : memref<128x128xf32, #tpu.memory_space<vmem>>) dst(%dma_wait3A_133 : memref<10240x128xf32, #tpu.memory_space<vmem_shared>>)
          tpu.yield
        }) : () -> ()
        %lt3A = arith.constant 3 : i32
        %lt3A_110 = arith.cmpi slt, %scan3A_82, %lt3A : i32
        %convert_element_type3A = arith.extui %lt3A_110 : i1 to i32
        %cond3A = arith.constant 0 : i32
        %cond3A_111 = arith.cmpi ne, %convert_element_type3A, %cond3A : i32
        scf.if %cond3A_111 {
          %add3A_122 = arith.constant 2 : i32
          %add3A_123 = arith.addi %mul3A_84, %add3A_122 : i32
          %dma_start3A_124 = arith.constant 0 : i32
          %dma_start3A_125 = arith.constant 0 : i32
          %dma_start3A_126 = tpu.memref_slice %arg8[%dma_start3A_124, %dma_start3A_125] : memref<128x128xf32, #tpu.memory_space<vmem>> -> memref<64x128xf32, #tpu.memory_space<vmem>>
          %dma_start3A_127 = arith.constant 0 : i32
          %dma_start3A_128 = tpu.memref_slice %arg6[%add3A_123, %dma_start3A_127] : memref<8x128xi32, #tpu.memory_space<vmem>> -> memref<1x64xi32, #tpu.memory_space<vmem>>
          %dma_start3A_129 = tpu.memref_squeeze %dma_start3A_128 : memref<1x64xi32, #tpu.memory_space<vmem>> -> memref<64xi32, #tpu.memory_space<vmem>>
          %dma_start3A_130 = arith.constant 0 : i32
          %dma_start3A_131 = arith.constant 0 : i32
          %dma_start3A_132 = tpu.memref_slice %arg2[%dma_start3A_130, %dma_start3A_131] : memref<10000x128xf32, #tpu.memory_space<hbm>> -> memref<10000x128xf32, #tpu.memory_space<hbm>>
          tpu.enqueue_indirect_dma source(%dma_start3A_132 : memref<10000x128xf32, #tpu.memory_space<hbm>>) target(%dma_start3A_126 : memref<64x128xf32, #tpu.memory_space<vmem>>) offsets(%dma_start3A_129 : memref<64xi32, #tpu.memory_space<vmem>>) semaphore(%arg11 : memref<!tpu.dma_semaphore, #tpu.memory_space<semaphore_mem>>)
          %dma_start3A_133 = arith.constant 64 : i32
          %dma_start3A_134 = arith.constant 0 : i32
          %dma_start3A_135 = tpu.memref_slice %arg8[%dma_start3A_133, %dma_start3A_134] : memref<128x128xf32, #tpu.memory_space<vmem>> -> memref<64x128xf32, #tpu.memory_space<vmem>>
          %dma_start3A_136 = arith.constant 64 : i32
          %dma_start3A_137 = tpu.memref_slice %arg6[%add3A_123, %dma_start3A_136] : memref<8x128xi32, #tpu.memory_space<vmem>> -> memref<1x64xi32, #tpu.memory_space<vmem>>
          %dma_start3A_138 = tpu.memref_squeeze %dma_start3A_137 : memref<1x64xi32, #tpu.memory_space<vmem>> -> memref<64xi32, #tpu.memory_space<vmem>>
          %dma_start3A_139 = arith.constant 0 : i32
          %dma_start3A_140 = arith.constant 0 : i32
          %dma_start3A_141 = tpu.memref_slice %arg2[%dma_start3A_139, %dma_start3A_140] : memref<10000x128xf32, #tpu.memory_space<hbm>> -> memref<10000x128xf32, #tpu.memory_space<hbm>>
          tpu.enqueue_indirect_dma source(%dma_start3A_141 : memref<10000x128xf32, #tpu.memory_space<hbm>>) target(%dma_start3A_135 : memref<64x128xf32, #tpu.memory_space<vmem>>) offsets(%dma_start3A_138 : memref<64xi32, #tpu.memory_space<vmem>>) semaphore(%arg11 : memref<!tpu.dma_semaphore, #tpu.memory_space<semaphore_mem>>)
        } else {
        }
        %add3A_112 = arith.constant 1 : i32
        %add3A_113 = arith.addi %mul3A_84, %add3A_112 : i32
        %dma_wait3A_114 = arith.constant 0 : i32
        %dma_wait3A_115 = tpu.memref_slice %arg6[%add3A_113, %dma_wait3A_114] : memref<8x128xi32, #tpu.memory_space<vmem>> -> memref<1x128xi32, #tpu.memory_space<vmem>>
        %dma_wait3A_116 = tpu.memref_squeeze %dma_wait3A_115 : memref<1x128xi32, #tpu.memory_space<vmem>> -> memref<128xi32, #tpu.memory_space<vmem>>
        %dma_wait3A_117 = arith.constant 0 : i32
        %dma_wait3A_118 = arith.constant 0 : i32
        %dma_wait3A_119 = tpu.memref_slice %arg2[%dma_wait3A_117, %dma_wait3A_118] : memref<10000x128xf32, #tpu.memory_space<hbm>> -> memref<10000x128xf32, #tpu.memory_space<hbm>>
        tpu.wait_indirect_dma semaphore(%arg12 : memref<!tpu.dma_semaphore, #tpu.memory_space<semaphore_mem>>) src(%dma_wait3A_119 : memref<10000x128xf32, #tpu.memory_space<hbm>>) dst(%arg9 : memref<128x128xf32, #tpu.memory_space<vmem>>)
        %add3A_120 = arith.constant 1 : i32
        %add3A_121 = arith.addi %mul3A_84, %add3A_120 : i32
        "tpu.region"() ({
          %run_scoped3A = tpu.sem_alloc : memref<!tpu.dma_semaphore, #tpu.memory_space<semaphore_mem>>
          %dma_start3A_122 = arith.constant 0 : i32
          %dma_start3A_123 = tpu.memref_slice %arg7[%add3A_121, %dma_start3A_122] : memref<8x128xi32, #tpu.memory_space<vmem>> -> memref<1x128xi32, #tpu.memory_space<vmem>>
          %dma_start3A_124 = tpu.memref_squeeze %dma_start3A_123 : memref<1x128xi32, #tpu.memory_space<vmem>> -> memref<128xi32, #tpu.memory_space<vmem>>
          %dma_start3A_125 = arith.constant 0 : i32
          %dma_start3A_126 = arith.constant 0 : i32
          %dma_start3A_127 = tpu.memref_slice %arg10[%dma_start3A_125, %dma_start3A_126] : memref<10240x128xf32, #tpu.memory_space<vmem_shared>> -> memref<10240x128xf32, #tpu.memory_space<vmem_shared>>
          tpu.enqueue_indirect_dma source(%arg9 : memref<128x128xf32, #tpu.memory_space<vmem>>) target(%dma_start3A_127 : memref<10240x128xf32, #tpu.memory_space<vmem_shared>>) offsets(%dma_start3A_124 : memref<128xi32, #tpu.memory_space<vmem>>) semaphore(%run_scoped3A : memref<!tpu.dma_semaphore, #tpu.memory_space<semaphore_mem>>) {add = true}
          %dma_wait3A_128 = arith.constant 0 : i32
          %dma_wait3A_129 = tpu.memref_slice %arg7[%add3A_121, %dma_wait3A_128] : memref<8x128xi32, #tpu.memory_space<vmem>> -> memref<1x128xi32, #tpu.memory_space<vmem>>
          %dma_wait3A_130 = tpu.memref_squeeze %dma_wait3A_129 : memref<1x128xi32, #tpu.memory_space<vmem>> -> memref<128xi32, #tpu.memory_space<vmem>>
          %dma_wait3A_131 = arith.constant 0 : i32
          %dma_wait3A_132 = arith.constant 0 : i32
          %dma_wait3A_133 = tpu.memref_slice %arg10[%dma_wait3A_131, %dma_wait3A_132] : memref<10240x128xf32, #tpu.memory_space<vmem_shared>> -> memref<10240x128xf32, #tpu.memory_space<vmem_shared>>
          tpu.wait_indirect_dma semaphore(%run_scoped3A : memref<!tpu.dma_semaphore, #tpu.memory_space<semaphore_mem>>) src(%arg9 : memref<128x128xf32, #tpu.memory_space<vmem>>) dst(%dma_wait3A_133 : memref<10240x128xf32, #tpu.memory_space<vmem_shared>>)
          tpu.yield
        }) : () -> ()
      }
      %scan3A_81 = arith.constant 4 : i32
    }
    %while3A_51 = arith.constant 1 : i32
    scf.for %while3A_53 = %while3A_49 to %while3A_45 step %while3A_51  : i32 {
      %mul3A_54 = arith.constant 8 : i32
      %mul3A_55 = arith.muli %while3A_53, %mul3A_54 : i32
      %add3A_56 = arith.addi %select_n3A_6, %mul3A_55 : i32
      "tpu.region"() ({
        %run_scoped3A = tpu.sem_alloc : memref<!tpu.dma_semaphore, #tpu.memory_space<semaphore_mem>>
        %dma_start3A_82 = arith.constant 0 : i32
        %dma_start3A_83 = tpu.memref_slice %arg3[%add3A_56, %dma_start3A_82] : memref<2560x128xi32, #tpu.memory_space<hbm>> -> memref<8x128xi32, #tpu.memory_space<hbm>>
        %dma_start3A_84 = arith.constant 0 : i32
        %dma_start3A_85 = tpu.memref_slice %arg3[%add3A_56, %dma_start3A_84] : memref<2560x128xi32, #tpu.memory_space<hbm>> -> memref<8x128xi32, #tpu.memory_space<hbm>>
        tpu.enqueue_dma source(%dma_start3A_85 : memref<8x128xi32, #tpu.memory_space<hbm>>) target(%arg6 : memref<8x128xi32, #tpu.memory_space<vmem>>) target_semaphore(%run_scoped3A : memref<!tpu.dma_semaphore, #tpu.memory_space<semaphore_mem>>)
        %dma_wait3A = arith.constant 0 : i32
        %dma_wait3A_86 = tpu.memref_slice %arg3[%add3A_56, %dma_wait3A] : memref<2560x128xi32, #tpu.memory_space<hbm>> -> memref<8x128xi32, #tpu.memory_space<hbm>>
        %dma_wait3A_87 = arith.constant 0 : i32
        %dma_wait3A_88 = tpu.memref_slice %arg3[%add3A_56, %dma_wait3A_87] : memref<2560x128xi32, #tpu.memory_space<hbm>> -> memref<8x128xi32, #tpu.memory_space<hbm>>
        tpu.wait_dma2 semaphore(%run_scoped3A : memref<!tpu.dma_semaphore, #tpu.memory_space<semaphore_mem>>) src(%dma_wait3A_88 : memref<8x128xi32, #tpu.memory_space<hbm>>) dst(%arg6 : memref<8x128xi32, #tpu.memory_space<vmem>>)
        tpu.yield
      }) : () -> ()
      "tpu.region"() ({
        %run_scoped3A = tpu.sem_alloc : memref<!tpu.dma_semaphore, #tpu.memory_space<semaphore_mem>>
        %dma_start3A_82 = arith.constant 0 : i32
        %dma_start3A_83 = tpu.memref_slice %arg4[%add3A_56, %dma_start3A_82] : memref<2560x128xi32, #tpu.memory_space<hbm>> -> memref<8x128xi32, #tpu.memory_space<hbm>>
        %dma_start3A_84 = arith.constant 0 : i32
        %dma_start3A_85 = tpu.memref_slice %arg4[%add3A_56, %dma_start3A_84] : memref<2560x128xi32, #tpu.memory_space<hbm>> -> memref<8x128xi32, #tpu.memory_space<hbm>>
        tpu.enqueue_dma source(%dma_start3A_85 : memref<8x128xi32, #tpu.memory_space<hbm>>) target(%arg7 : memref<8x128xi32, #tpu.memory_space<vmem>>) target_semaphore(%run_scoped3A : memref<!tpu.dma_semaphore, #tpu.memory_space<semaphore_mem>>)
        %dma_wait3A = arith.constant 0 : i32
        %dma_wait3A_86 = tpu.memref_slice %arg4[%add3A_56, %dma_wait3A] : memref<2560x128xi32, #tpu.memory_space<hbm>> -> memref<8x128xi32, #tpu.memory_space<hbm>>
        %dma_wait3A_87 = arith.constant 0 : i32
        %dma_wait3A_88 = tpu.memref_slice %arg4[%add3A_56, %dma_wait3A_87] : memref<2560x128xi32, #tpu.memory_space<hbm>> -> memref<8x128xi32, #tpu.memory_space<hbm>>
        tpu.wait_dma2 semaphore(%run_scoped3A : memref<!tpu.dma_semaphore, #tpu.memory_space<semaphore_mem>>) src(%dma_wait3A_88 : memref<8x128xi32, #tpu.memory_space<hbm>>) dst(%arg7 : memref<8x128xi32, #tpu.memory_space<vmem>>)
        tpu.yield
      }) : () -> ()
      %dma_start3A = arith.constant 0 : i32
      %dma_start3A_57 = arith.constant 0 : i32
      %dma_start3A_58 = arith.constant 0 : i32
      %dma_start3A_59 = tpu.memref_slice %arg8[%dma_start3A_57, %dma_start3A_58] : memref<128x128xf32, #tpu.memory_space<vmem>> -> memref<64x128xf32, #tpu.memory_space<vmem>>
      %dma_start3A_60 = arith.constant 0 : i32
      %dma_start3A_61 = tpu.memref_slice %arg6[%dma_start3A, %dma_start3A_60] : memref<8x128xi32, #tpu.memory_space<vmem>> -> memref<1x64xi32, #tpu.memory_space<vmem>>
      %dma_start3A_62 = tpu.memref_squeeze %dma_start3A_61 : memref<1x64xi32, #tpu.memory_space<vmem>> -> memref<64xi32, #tpu.memory_space<vmem>>
      %dma_start3A_63 = arith.constant 0 : i32
      %dma_start3A_64 = arith.constant 0 : i32
      %dma_start3A_65 = tpu.memref_slice %arg2[%dma_start3A_63, %dma_start3A_64] : memref<10000x128xf32, #tpu.memory_space<hbm>> -> memref<10000x128xf32, #tpu.memory_space<hbm>>
      tpu.enqueue_indirect_dma source(%dma_start3A_65 : memref<10000x128xf32, #tpu.memory_space<hbm>>) target(%dma_start3A_59 : memref<64x128xf32, #tpu.memory_space<vmem>>) offsets(%dma_start3A_62 : memref<64xi32, #tpu.memory_space<vmem>>) semaphore(%arg11 : memref<!tpu.dma_semaphore, #tpu.memory_space<semaphore_mem>>)
      %dma_start3A_66 = arith.constant 0 : i32
      %dma_start3A_67 = arith.constant 64 : i32
      %dma_start3A_68 = arith.constant 0 : i32
      %dma_start3A_69 = tpu.memref_slice %arg8[%dma_start3A_67, %dma_start3A_68] : memref<128x128xf32, #tpu.memory_space<vmem>> -> memref<64x128xf32, #tpu.memory_space<vmem>>
      %dma_start3A_70 = arith.constant 64 : i32
      %dma_start3A_71 = tpu.memref_slice %arg6[%dma_start3A_66, %dma_start3A_70] : memref<8x128xi32, #tpu.memory_space<vmem>> -> memref<1x64xi32, #tpu.memory_space<vmem>>
      %dma_start3A_72 = tpu.memref_squeeze %dma_start3A_71 : memref<1x64xi32, #tpu.memory_space<vmem>> -> memref<64xi32, #tpu.memory_space<vmem>>
      %dma_start3A_73 = arith.constant 0 : i32
      %dma_start3A_74 = arith.constant 0 : i32
      %dma_start3A_75 = tpu.memref_slice %arg2[%dma_start3A_73, %dma_start3A_74] : memref<10000x128xf32, #tpu.memory_space<hbm>> -> memref<10000x128xf32, #tpu.memory_space<hbm>>
      tpu.enqueue_indirect_dma source(%dma_start3A_75 : memref<10000x128xf32, #tpu.memory_space<hbm>>) target(%dma_start3A_69 : memref<64x128xf32, #tpu.memory_space<vmem>>) offsets(%dma_start3A_72 : memref<64xi32, #tpu.memory_space<vmem>>) semaphore(%arg11 : memref<!tpu.dma_semaphore, #tpu.memory_space<semaphore_mem>>)
      %scan3A_76 = arith.constant 0 : i32
      %scan3A_77 = arith.constant 0 : i32
      %scan3A_78 = arith.constant 4 : i32
      %scan3A_79 = arith.addi %scan3A_77, %scan3A_78 : i32
      %scan3A_80 = arith.constant 1 : i32
      scf.for %scan3A_82 = %scan3A_77 to %scan3A_79 step %scan3A_80  : i32 {
        %mul3A_83 = arith.constant 2 : i32
        %mul3A_84 = arith.muli %mul3A_83, %scan3A_82 : i32
        %add3A_85 = arith.constant 1 : i32
        %add3A_86 = arith.addi %mul3A_84, %add3A_85 : i32
        %dma_start3A_87 = arith.constant 0 : i32
        %dma_start3A_88 = arith.constant 0 : i32
        %dma_start3A_89 = tpu.memref_slice %arg9[%dma_start3A_87, %dma_start3A_88] : memref<128x128xf32, #tpu.memory_space<vmem>> -> memref<64x128xf32, #tpu.memory_space<vmem>>
        %dma_start3A_90 = arith.constant 0 : i32
        %dma_start3A_91 = tpu.memref_slice %arg6[%add3A_86, %dma_start3A_90] : memref<8x128xi32, #tpu.memory_space<vmem>> -> memref<1x64xi32, #tpu.memory_space<vmem>>
        %dma_start3A_92 = tpu.memref_squeeze %dma_start3A_91 : memref<1x64xi32, #tpu.memory_space<vmem>> -> memref<64xi32, #tpu.memory_space<vmem>>
        %dma_start3A_93 = arith.constant 0 : i32
        %dma_start3A_94 = arith.constant 0 : i32
        %dma_start3A_95 = tpu.memref_slice %arg2[%dma_start3A_93, %dma_start3A_94] : memref<10000x128xf32, #tpu.memory_space<hbm>> -> memref<10000x128xf32, #tpu.memory_space<hbm>>
        tpu.enqueue_indirect_dma source(%dma_start3A_95 : memref<10000x128xf32, #tpu.memory_space<hbm>>) target(%dma_start3A_89 : memref<64x128xf32, #tpu.memory_space<vmem>>) offsets(%dma_start3A_92 : memref<64xi32, #tpu.memory_space<vmem>>) semaphore(%arg12 : memref<!tpu.dma_semaphore, #tpu.memory_space<semaphore_mem>>)
        %dma_start3A_96 = arith.constant 64 : i32
        %dma_start3A_97 = arith.constant 0 : i32
        %dma_start3A_98 = tpu.memref_slice %arg9[%dma_start3A_96, %dma_start3A_97] : memref<128x128xf32, #tpu.memory_space<vmem>> -> memref<64x128xf32, #tpu.memory_space<vmem>>
        %dma_start3A_99 = arith.constant 64 : i32
        %dma_start3A_100 = tpu.memref_slice %arg6[%add3A_86, %dma_start3A_99] : memref<8x128xi32, #tpu.memory_space<vmem>> -> memref<1x64xi32, #tpu.memory_space<vmem>>
        %dma_start3A_101 = tpu.memref_squeeze %dma_start3A_100 : memref<1x64xi32, #tpu.memory_space<vmem>> -> memref<64xi32, #tpu.memory_space<vmem>>
        %dma_start3A_102 = arith.constant 0 : i32
        %dma_start3A_103 = arith.constant 0 : i32
        %dma_start3A_104 = tpu.memref_slice %arg2[%dma_start3A_102, %dma_start3A_103] : memref<10000x128xf32, #tpu.memory_space<hbm>> -> memref<10000x128xf32, #tpu.memory_space<hbm>>
        tpu.enqueue_indirect_dma source(%dma_start3A_104 : memref<10000x128xf32, #tpu.memory_space<hbm>>) target(%dma_start3A_98 : memref<64x128xf32, #tpu.memory_space<vmem>>) offsets(%dma_start3A_101 : memref<64xi32, #tpu.memory_space<vmem>>) semaphore(%arg12 : memref<!tpu.dma_semaphore, #tpu.memory_space<semaphore_mem>>)
        %dma_wait3A = arith.constant 0 : i32
        %dma_wait3A_105 = tpu.memref_slice %arg6[%mul3A_84, %dma_wait3A] : memref<8x128xi32, #tpu.memory_space<vmem>> -> memref<1x128xi32, #tpu.memory_space<vmem>>
        %dma_wait3A_106 = tpu.memref_squeeze %dma_wait3A_105 : memref<1x128xi32, #tpu.memory_space<vmem>> -> memref<128xi32, #tpu.memory_space<vmem>>
        %dma_wait3A_107 = arith.constant 0 : i32
        %dma_wait3A_108 = arith.constant 0 : i32
        %dma_wait3A_109 = tpu.memref_slice %arg2[%dma_wait3A_107, %dma_wait3A_108] : memref<10000x128xf32, #tpu.memory_space<hbm>> -> memref<10000x128xf32, #tpu.memory_space<hbm>>
        tpu.wait_indirect_dma semaphore(%arg11 : memref<!tpu.dma_semaphore, #tpu.memory_space<semaphore_mem>>) src(%dma_wait3A_109 : memref<10000x128xf32, #tpu.memory_space<hbm>>) dst(%arg8 : memref<128x128xf32, #tpu.memory_space<vmem>>)
        "tpu.region"() ({
          %run_scoped3A = tpu.sem_alloc : memref<!tpu.dma_semaphore, #tpu.memory_space<semaphore_mem>>
          %dma_start3A_122 = arith.constant 0 : i32
          %dma_start3A_123 = tpu.memref_slice %arg7[%mul3A_84, %dma_start3A_122] : memref<8x128xi32, #tpu.memory_space<vmem>> -> memref<1x128xi32, #tpu.memory_space<vmem>>
          %dma_start3A_124 = tpu.memref_squeeze %dma_start3A_123 : memref<1x128xi32, #tpu.memory_space<vmem>> -> memref<128xi32, #tpu.memory_space<vmem>>
          %dma_start3A_125 = arith.constant 0 : i32
          %dma_start3A_126 = arith.constant 0 : i32
          %dma_start3A_127 = tpu.memref_slice %arg10[%dma_start3A_125, %dma_start3A_126] : memref<10240x128xf32, #tpu.memory_space<vmem_shared>> -> memref<10240x128xf32, #tpu.memory_space<vmem_shared>>
          tpu.enqueue_indirect_dma source(%arg8 : memref<128x128xf32, #tpu.memory_space<vmem>>) target(%dma_start3A_127 : memref<10240x128xf32, #tpu.memory_space<vmem_shared>>) offsets(%dma_start3A_124 : memref<128xi32, #tpu.memory_space<vmem>>) semaphore(%run_scoped3A : memref<!tpu.dma_semaphore, #tpu.memory_space<semaphore_mem>>) {add = true}
          %dma_wait3A_128 = arith.constant 0 : i32
          %dma_wait3A_129 = tpu.memref_slice %arg7[%mul3A_84, %dma_wait3A_128] : memref<8x128xi32, #tpu.memory_space<vmem>> -> memref<1x128xi32, #tpu.memory_space<vmem>>
          %dma_wait3A_130 = tpu.memref_squeeze %dma_wait3A_129 : memref<1x128xi32, #tpu.memory_space<vmem>> -> memref<128xi32, #tpu.memory_space<vmem>>
          %dma_wait3A_131 = arith.constant 0 : i32
          %dma_wait3A_132 = arith.constant 0 : i32
          %dma_wait3A_133 = tpu.memref_slice %arg10[%dma_wait3A_131, %dma_wait3A_132] : memref<10240x128xf32, #tpu.memory_space<vmem_shared>> -> memref<10240x128xf32, #tpu.memory_space<vmem_shared>>
          tpu.wait_indirect_dma semaphore(%run_scoped3A : memref<!tpu.dma_semaphore, #tpu.memory_space<semaphore_mem>>) src(%arg8 : memref<128x128xf32, #tpu.memory_space<vmem>>) dst(%dma_wait3A_133 : memref<10240x128xf32, #tpu.memory_space<vmem_shared>>)
          tpu.yield
        }) : () -> ()
        %lt3A = arith.constant 3 : i32
        %lt3A_110 = arith.cmpi slt, %scan3A_82, %lt3A : i32
        %convert_element_type3A = arith.extui %lt3A_110 : i1 to i32
        %cond3A = arith.constant 0 : i32
        %cond3A_111 = arith.cmpi ne, %convert_element_type3A, %cond3A : i32
        scf.if %cond3A_111 {
          %add3A_122 = arith.constant 2 : i32
          %add3A_123 = arith.addi %mul3A_84, %add3A_122 : i32
          %dma_start3A_124 = arith.constant 0 : i32
          %dma_start3A_125 = arith.constant 0 : i32
          %dma_start3A_126 = tpu.memref_slice %arg8[%dma_start3A_124, %dma_start3A_125] : memref<128x128xf32, #tpu.memory_space<vmem>> -> memref<64x128xf32, #tpu.memory_space<vmem>>
          %dma_start3A_127 = arith.constant 0 : i32
          %dma_start3A_128 = tpu.memref_slice %arg6[%add3A_123, %dma_start3A_127] : memref<8x128xi32, #tpu.memory_space<vmem>> -> memref<1x64xi32, #tpu.memory_space<vmem>>
          %dma_start3A_129 = tpu.memref_squeeze %dma_start3A_128 : memref<1x64xi32, #tpu.memory_space<vmem>> -> memref<64xi32, #tpu.memory_space<vmem>>
          %dma_start3A_130 = arith.constant 0 : i32
          %dma_start3A_131 = arith.constant 0 : i32
          %dma_start3A_132 = tpu.memref_slice %arg2[%dma_start3A_130, %dma_start3A_131] : memref<10000x128xf32, #tpu.memory_space<hbm>> -> memref<10000x128xf32, #tpu.memory_space<hbm>>
          tpu.enqueue_indirect_dma source(%dma_start3A_132 : memref<10000x128xf32, #tpu.memory_space<hbm>>) target(%dma_start3A_126 : memref<64x128xf32, #tpu.memory_space<vmem>>) offsets(%dma_start3A_129 : memref<64xi32, #tpu.memory_space<vmem>>) semaphore(%arg11 : memref<!tpu.dma_semaphore, #tpu.memory_space<semaphore_mem>>)
          %dma_start3A_133 = arith.constant 64 : i32
          %dma_start3A_134 = arith.constant 0 : i32
          %dma_start3A_135 = tpu.memref_slice %arg8[%dma_start3A_133, %dma_start3A_134] : memref<128x128xf32, #tpu.memory_space<vmem>> -> memref<64x128xf32, #tpu.memory_space<vmem>>
          %dma_start3A_136 = arith.constant 64 : i32
          %dma_start3A_137 = tpu.memref_slice %arg6[%add3A_123, %dma_start3A_136] : memref<8x128xi32, #tpu.memory_space<vmem>> -> memref<1x64xi32, #tpu.memory_space<vmem>>
          %dma_start3A_138 = tpu.memref_squeeze %dma_start3A_137 : memref<1x64xi32, #tpu.memory_space<vmem>> -> memref<64xi32, #tpu.memory_space<vmem>>
          %dma_start3A_139 = arith.constant 0 : i32
          %dma_start3A_140 = arith.constant 0 : i32
          %dma_start3A_141 = tpu.memref_slice %arg2[%dma_start3A_139, %dma_start3A_140] : memref<10000x128xf32, #tpu.memory_space<hbm>> -> memref<10000x128xf32, #tpu.memory_space<hbm>>
          tpu.enqueue_indirect_dma source(%dma_start3A_141 : memref<10000x128xf32, #tpu.memory_space<hbm>>) target(%dma_start3A_135 : memref<64x128xf32, #tpu.memory_space<vmem>>) offsets(%dma_start3A_138 : memref<64xi32, #tpu.memory_space<vmem>>) semaphore(%arg11 : memref<!tpu.dma_semaphore, #tpu.memory_space<semaphore_mem>>)
        } else {
        }
        %add3A_112 = arith.constant 1 : i32
        %add3A_113 = arith.addi %mul3A_84, %add3A_112 : i32
        %dma_wait3A_114 = arith.constant 0 : i32
        %dma_wait3A_115 = tpu.memref_slice %arg6[%add3A_113, %dma_wait3A_114] : memref<8x128xi32, #tpu.memory_space<vmem>> -> memref<1x128xi32, #tpu.memory_space<vmem>>
        %dma_wait3A_116 = tpu.memref_squeeze %dma_wait3A_115 : memref<1x128xi32, #tpu.memory_space<vmem>> -> memref<128xi32, #tpu.memory_space<vmem>>
        %dma_wait3A_117 = arith.constant 0 : i32
        %dma_wait3A_118 = arith.constant 0 : i32
        %dma_wait3A_119 = tpu.memref_slice %arg2[%dma_wait3A_117, %dma_wait3A_118] : memref<10000x128xf32, #tpu.memory_space<hbm>> -> memref<10000x128xf32, #tpu.memory_space<hbm>>
        tpu.wait_indirect_dma semaphore(%arg12 : memref<!tpu.dma_semaphore, #tpu.memory_space<semaphore_mem>>) src(%dma_wait3A_119 : memref<10000x128xf32, #tpu.memory_space<hbm>>) dst(%arg9 : memref<128x128xf32, #tpu.memory_space<vmem>>)
        %add3A_120 = arith.constant 1 : i32
        %add3A_121 = arith.addi %mul3A_84, %add3A_120 : i32
        "tpu.region"() ({
          %run_scoped3A = tpu.sem_alloc : memref<!tpu.dma_semaphore, #tpu.memory_space<semaphore_mem>>
          %dma_start3A_122 = arith.constant 0 : i32
          %dma_start3A_123 = tpu.memref_slice %arg7[%add3A_121, %dma_start3A_122] : memref<8x128xi32, #tpu.memory_space<vmem>> -> memref<1x128xi32, #tpu.memory_space<vmem>>
          %dma_start3A_124 = tpu.memref_squeeze %dma_start3A_123 : memref<1x128xi32, #tpu.memory_space<vmem>> -> memref<128xi32, #tpu.memory_space<vmem>>
          %dma_start3A_125 = arith.constant 0 : i32
          %dma_start3A_126 = arith.constant 0 : i32
          %dma_start3A_127 = tpu.memref_slice %arg10[%dma_start3A_125, %dma_start3A_126] : memref<10240x128xf32, #tpu.memory_space<vmem_shared>> -> memref<10240x128xf32, #tpu.memory_space<vmem_shared>>
          tpu.enqueue_indirect_dma source(%arg9 : memref<128x128xf32, #tpu.memory_space<vmem>>) target(%dma_start3A_127 : memref<10240x128xf32, #tpu.memory_space<vmem_shared>>) offsets(%dma_start3A_124 : memref<128xi32, #tpu.memory_space<vmem>>) semaphore(%run_scoped3A : memref<!tpu.dma_semaphore, #tpu.memory_space<semaphore_mem>>) {add = true}
          %dma_wait3A_128 = arith.constant 0 : i32
          %dma_wait3A_129 = tpu.memref_slice %arg7[%add3A_121, %dma_wait3A_128] : memref<8x128xi32, #tpu.memory_space<vmem>> -> memref<1x128xi32, #tpu.memory_space<vmem>>
          %dma_wait3A_130 = tpu.memref_squeeze %dma_wait3A_129 : memref<1x128xi32, #tpu.memory_space<vmem>> -> memref<128xi32, #tpu.memory_space<vmem>>
          %dma_wait3A_131 = arith.constant 0 : i32
          %dma_wait3A_132 = arith.constant 0 : i32
          %dma_wait3A_133 = tpu.memref_slice %arg10[%dma_wait3A_131, %dma_wait3A_132] : memref<10240x128xf32, #tpu.memory_space<vmem_shared>> -> memref<10240x128xf32, #tpu.memory_space<vmem_shared>>
          tpu.wait_indirect_dma semaphore(%run_scoped3A : memref<!tpu.dma_semaphore, #tpu.memory_space<semaphore_mem>>) src(%arg9 : memref<128x128xf32, #tpu.memory_space<vmem>>) dst(%dma_wait3A_133 : memref<10240x128xf32, #tpu.memory_space<vmem_shared>>)
          tpu.yield
        }) : () -> ()
      }
      %scan3A_81 = arith.constant 4 : i32
    }
    %barrier3A_52 = arith.constant 0 : index
    tpu.barrier barrier_id(%barrier3A_52)
    "tpu.region"() ({
      %run_scoped3A = tpu.sem_alloc : memref<!tpu.dma_semaphore, #tpu.memory_space<semaphore_mem>>
      %dma_start3A = arith.constant 0 : i32
      %dma_start3A_53 = tpu.memref_slice %arg5[%arg0, %mul3A_9, %dma_start3A] : memref<2x10240x128xf32, #tpu.memory_space<hbm>> -> memref<1x640x128xf32, #tpu.memory_space<hbm>>
      %dma_start3A_54 = tpu.memref_squeeze %dma_start3A_53 : memref<1x640x128xf32, #tpu.memory_space<hbm>> -> memref<640x128xf32, #tpu.memory_space<hbm>>
      %dma_start3A_55 = arith.constant 0 : i32
      %dma_start3A_56 = tpu.memref_slice %arg10[%mul3A_9, %dma_start3A_55] : memref<10240x128xf32, #tpu.memory_space<vmem_shared>> -> memref<640x128xf32, #tpu.memory_space<vmem_shared>>
      tpu.enqueue_dma source(%dma_start3A_56 : memref<640x128xf32, #tpu.memory_space<vmem_shared>>) target(%dma_start3A_54 : memref<640x128xf32, #tpu.memory_space<hbm>>) target_semaphore(%run_scoped3A : memref<!tpu.dma_semaphore, #tpu.memory_space<semaphore_mem>>)
      %dma_wait3A = arith.constant 0 : i32
      %dma_wait3A_57 = tpu.memref_slice %arg5[%arg0, %mul3A_9, %dma_wait3A] : memref<2x10240x128xf32, #tpu.memory_space<hbm>> -> memref<1x640x128xf32, #tpu.memory_space<hbm>>
      %dma_wait3A_58 = tpu.memref_squeeze %dma_wait3A_57 : memref<1x640x128xf32, #tpu.memory_space<hbm>> -> memref<640x128xf32, #tpu.memory_space<hbm>>
      %dma_wait3A_59 = arith.constant 0 : i32
      %dma_wait3A_60 = tpu.memref_slice %arg10[%mul3A_9, %dma_wait3A_59] : memref<10240x128xf32, #tpu.memory_space<vmem_shared>> -> memref<640x128xf32, #tpu.memory_space<vmem_shared>>
      tpu.wait_dma2 semaphore(%run_scoped3A : memref<!tpu.dma_semaphore, #tpu.memory_space<semaphore_mem>>) src(%dma_wait3A_60 : memref<640x128xf32, #tpu.memory_space<vmem_shared>>) dst(%dma_wait3A_58 : memref<640x128xf32, #tpu.memory_space<hbm>>)
      tpu.yield
    }) : () -> ()
    return
  }
}

module attributes {stable_mosaic.version = 14 : i64} {
  func.func @_scale_body(%arg0: i32, %arg1: memref<2x400x128xf32, #tpu.memory_space<vmem>>, %arg2: memref<400x128xf32, #tpu.memory_space<vmem>>, %arg3: memref<400x128xf32, #tpu.memory_space<vmem>>) attributes {dimension_semantics = [#tpu.dimension_semantics<arbitrary>], iteration_bounds = array<i64: 25>, scalar_prefetch = 0 : i64, scratch_operands = 0 : i64, tpu.core_type = #tpu.core_type<tc>, window_params = [{transform_indices = @transform_0, window_bounds = array<i64: 2, 400, 128>}, {transform_indices = @transform_1, window_bounds = array<i64: 400, 128>}, {transform_indices = @transform_2, window_bounds = array<i64: 400, 128>}]} {
    %get3A = arith.constant 0 : index
    %get3A_0 = arith.constant 0 : index
    %get3A_1 = arith.constant 0 : index
    %get3A_2 = vector.load %arg1[%get3A, %get3A_0, %get3A_1] : memref<2x400x128xf32, #tpu.memory_space<vmem>>, vector<1x400x128xf32>
    %get3A_3 = vector.shape_cast %get3A_2 : vector<1x400x128xf32> to vector<400x128xf32>
    %reduce_sum3A = arith.constant dense<0.000000e+00> : vector<400xf32>
    %reduce_sum3A_4 = vector.multi_reduction <add>, %get3A_3, %reduce_sum3A [1] : vector<400x128xf32> to vector<400xf32>
    %get3A_5 = arith.constant 1 : index
    %get3A_6 = arith.constant 0 : index
    %get3A_7 = arith.constant 0 : index
    %get3A_8 = vector.load %arg1[%get3A_5, %get3A_6, %get3A_7] : memref<2x400x128xf32, #tpu.memory_space<vmem>>, vector<1x400x128xf32>
    %get3A_9 = vector.shape_cast %get3A_8 : vector<1x400x128xf32> to vector<400x128xf32>
    %reduce_sum3A_10 = arith.constant dense<0.000000e+00> : vector<400xf32>
    %reduce_sum3A_11 = vector.multi_reduction <add>, %get3A_9, %reduce_sum3A_10 [1] : vector<400x128xf32> to vector<400xf32>
    %add3A = arith.addf %reduce_sum3A_4, %reduce_sum3A_11 : vector<400xf32>
    %mul3A = arith.constant 7.812500e-03 : f32
    %mul3A_12 = vector.broadcast %mul3A : f32 to vector<400xf32>
    %mul3A_13 = arith.mulf %add3A, %mul3A_12 : vector<400xf32>
    %add3A_14 = arith.constant 1.000000e+00 : f32
    %add3A_15 = vector.broadcast %add3A_14 : f32 to vector<400xf32>
    %add3A_16 = arith.addf %mul3A_13, %add3A_15 : vector<400xf32>
    %rsqrt3A = math.rsqrt %add3A_16 : vector<400xf32>
    %get3A_17 = arith.constant 0 : index
    %get3A_18 = arith.constant 0 : index
    %get3A_19 = vector.load %arg2[%get3A_17, %get3A_18] : memref<400x128xf32, #tpu.memory_space<vmem>>, vector<400x128xf32>
    %broadcast_in_dim3A = vector.shape_cast %rsqrt3A : vector<400xf32> to vector<400x1xf32>
    %mul3A_20 = vector.broadcast %broadcast_in_dim3A : vector<400x1xf32> to vector<400x128xf32>
    %mul3A_21 = arith.mulf %get3A_19, %mul3A_20 : vector<400x128xf32>
    %swap3A = arith.constant 0 : index
    %swap3A_22 = arith.constant 0 : index
    %swap3A_23 = vector.load %arg3[%swap3A, %swap3A_22] : memref<400x128xf32, #tpu.memory_space<vmem>>, vector<400x128xf32>
    tpu.vector_store %arg3[%swap3A, %swap3A_22], %mul3A_21 {strides = array<i32>} : memref<400x128xf32, #tpu.memory_space<vmem>>, vector<400x128xf32>,
    return
  }
  func.func @transform_0(%arg0: i32) -> (i32, i32, i32) {
    %c0_i32 = arith.constant 0 : i32
    %c0_i32_0 = arith.constant 0 : i32
    %c0_i32_1 = arith.constant 0 : i32
    return %c0_i32, %arg0, %c0_i32_0 : i32, i32, i32
  }
  func.func @transform_1(%arg0: i32) -> (i32, i32) {
    %c0_i32 = arith.constant 0 : i32
    %c0_i32_0 = arith.constant 0 : i32
    return %arg0, %c0_i32 : i32, i32
  }
  func.func @transform_2(%arg0: i32) -> (i32, i32) {
    %c0_i32 = arith.constant 0 : i32
    %c0_i32_0 = arith.constant 0 : i32
    return %arg0, %c0_i32 : i32, i32
  }
}

module attributes {stable_mosaic.version = 14 : i64} {
  func.func @_mm_body(%arg0: i32, %arg1: memref<400x128xf32, #tpu.memory_space<vmem>>, %arg2: memref<128x128xf32, #tpu.memory_space<vmem>>, %arg3: memref<400x128xf32, #tpu.memory_space<vmem>>) attributes {dimension_semantics = [#tpu.dimension_semantics<arbitrary>], iteration_bounds = array<i64: 25>, scalar_prefetch = 0 : i64, scratch_operands = 0 : i64, tpu.core_type = #tpu.core_type<tc>, window_params = [{transform_indices = @transform_0, window_bounds = array<i64: 400, 128>}, {pipeline_mode = #tpu.pipeline_mode<synchronous>, transform_indices = @transform_1, window_bounds = array<i64: 128, 128>}, {transform_indices = @transform_2, window_bounds = array<i64: 400, 128>}]} {
    %get3A = arith.constant 0 : index
    %get3A_0 = arith.constant 0 : index
    %get3A_1 = vector.load %arg1[%get3A, %get3A_0] : memref<400x128xf32, #tpu.memory_space<vmem>>, vector<400x128xf32>
    %get3A_2 = arith.constant 0 : index
    %get3A_3 = arith.constant 0 : index
    %get3A_4 = vector.load %arg2[%get3A_2, %get3A_3] : memref<128x128xf32, #tpu.memory_space<vmem>>, vector<128x128xf32>
    %dot_general3A = arith.constant dense<0.000000e+00> : vector<400x128xf32>
    %dot_general3A_5 = tpu.matmul %get3A_1, %get3A_4, %dot_general3A {dimension_numbers = #tpu.dot_dimension_numbers<[1], [1], [0], [0], [0, 0, 1, 0], [], []>, transpose_lhs_hint = false} : vector<400x128xf32>, vector<128x128xf32>, vector<400x128xf32> -> vector<400x128xf32>
    %swap3A = arith.constant 0 : index
    %swap3A_6 = arith.constant 0 : index
    %swap3A_7 = vector.load %arg3[%swap3A, %swap3A_6] : memref<400x128xf32, #tpu.memory_space<vmem>>, vector<400x128xf32>
    tpu.vector_store %arg3[%swap3A, %swap3A_6], %dot_general3A_5 {strides = array<i32>} : memref<400x128xf32, #tpu.memory_space<vmem>>, vector<400x128xf32>,
    return
  }
  func.func @transform_0(%arg0: i32) -> (i32, i32) {
    %c0_i32 = arith.constant 0 : i32
    %c0_i32_0 = arith.constant 0 : i32
    return %arg0, %c0_i32 : i32, i32
  }
  func.func @transform_1(%arg0: i32) -> (i32, i32) {
    %c0_i32 = arith.constant 0 : i32
    %c0_i32_0 = arith.constant 0 : i32
    %c0_i32_1 = arith.constant 0 : i32
    return %c0_i32, %c0_i32_0 : i32, i32
  }
  func.func @transform_2(%arg0: i32) -> (i32, i32) {
    %c0_i32 = arith.constant 0 : i32
    %c0_i32_0 = arith.constant 0 : i32
    return %arg0, %c0_i32 : i32, i32
  }
}

module attributes {stable_mosaic.version = 14 : i64} {
  func.func @_fin_body(%arg0: i32, %arg1: memref<2x400x128xf32, #tpu.memory_space<vmem>>, %arg2: memref<2x400x128xf32, #tpu.memory_space<vmem>>, %arg3: memref<400x128xf32, #tpu.memory_space<vmem>>, %arg4: memref<1x128xf32, #tpu.memory_space<vmem>>, %arg5: memref<400x128xf32, #tpu.memory_space<vmem>>) attributes {dimension_semantics = [#tpu.dimension_semantics<arbitrary>], iteration_bounds = array<i64: 25>, scalar_prefetch = 0 : i64, scratch_operands = 0 : i64, tpu.core_type = #tpu.core_type<tc>, window_params = [{transform_indices = @transform_0, window_bounds = array<i64: 2, 400, 128>}, {transform_indices = @transform_1, window_bounds = array<i64: 2, 400, 128>}, {transform_indices = @transform_2, window_bounds = array<i64: 400, 128>}, {pipeline_mode = #tpu.pipeline_mode<synchronous>, transform_indices = @transform_3, window_bounds = array<i64: 1, 128>}, {transform_indices = @transform_4, window_bounds = array<i64: 400, 128>}]} {
    %get3A = arith.constant 0 : index
    %get3A_0 = arith.constant 0 : index
    %get3A_1 = arith.constant 0 : index
    %get3A_2 = vector.load %arg1[%get3A, %get3A_0, %get3A_1] : memref<2x400x128xf32, #tpu.memory_space<vmem>>, vector<1x400x128xf32>
    %get3A_3 = vector.shape_cast %get3A_2 : vector<1x400x128xf32> to vector<400x128xf32>
    %reduce_sum3A = arith.constant dense<0.000000e+00> : vector<400xf32>
    %reduce_sum3A_4 = vector.multi_reduction <add>, %get3A_3, %reduce_sum3A [1] : vector<400x128xf32> to vector<400xf32>
    %get3A_5 = arith.constant 1 : index
    %get3A_6 = arith.constant 0 : index
    %get3A_7 = arith.constant 0 : index
    %get3A_8 = vector.load %arg1[%get3A_5, %get3A_6, %get3A_7] : memref<2x400x128xf32, #tpu.memory_space<vmem>>, vector<1x400x128xf32>
    %get3A_9 = vector.shape_cast %get3A_8 : vector<1x400x128xf32> to vector<400x128xf32>
    %reduce_sum3A_10 = arith.constant dense<0.000000e+00> : vector<400xf32>
    %reduce_sum3A_11 = vector.multi_reduction <add>, %get3A_9, %reduce_sum3A_10 [1] : vector<400x128xf32> to vector<400xf32>
    %add3A = arith.addf %reduce_sum3A_4, %reduce_sum3A_11 : vector<400xf32>
    %mul3A = arith.constant 7.812500e-03 : f32
    %mul3A_12 = vector.broadcast %mul3A : f32 to vector<400xf32>
    %mul3A_13 = arith.mulf %add3A, %mul3A_12 : vector<400xf32>
    %add3A_14 = arith.constant 1.000000e+00 : f32
    %add3A_15 = vector.broadcast %add3A_14 : f32 to vector<400xf32>
    %add3A_16 = arith.addf %mul3A_13, %add3A_15 : vector<400xf32>
    %rsqrt3A = math.rsqrt %add3A_16 : vector<400xf32>
    %get3A_17 = arith.constant 0 : index
    %get3A_18 = arith.constant 0 : index
    %get3A_19 = arith.constant 0 : index
    %get3A_20 = vector.load %arg2[%get3A_17, %get3A_18, %get3A_19] : memref<2x400x128xf32, #tpu.memory_space<vmem>>, vector<1x400x128xf32>
    %get3A_21 = vector.shape_cast %get3A_20 : vector<1x400x128xf32> to vector<400x128xf32>
    %get3A_22 = arith.constant 1 : index
    %get3A_23 = arith.constant 0 : index
    %get3A_24 = arith.constant 0 : index
    %get3A_25 = vector.load %arg2[%get3A_22, %get3A_23, %get3A_24] : memref<2x400x128xf32, #tpu.memory_space<vmem>>, vector<1x400x128xf32>
    %get3A_26 = vector.shape_cast %get3A_25 : vector<1x400x128xf32> to vector<400x128xf32>
    %add3A_27 = arith.addf %get3A_21, %get3A_26 : vector<400x128xf32>
    %get3A_28 = arith.constant 0 : index
    %get3A_29 = arith.constant 0 : index
    %get3A_30 = vector.load %arg3[%get3A_28, %get3A_29] : memref<400x128xf32, #tpu.memory_space<vmem>>, vector<400x128xf32>
    %add3A_31 = arith.addf %add3A_27, %get3A_30 : vector<400x128xf32>
    %broadcast_in_dim3A = vector.shape_cast %rsqrt3A : vector<400xf32> to vector<400x1xf32>
    %mul3A_32 = vector.broadcast %broadcast_in_dim3A : vector<400x1xf32> to vector<400x128xf32>
    %mul3A_33 = arith.mulf %add3A_31, %mul3A_32 : vector<400x128xf32>
    %get3A_34 = arith.constant 0 : index
    %get3A_35 = arith.constant 0 : index
    %get3A_36 = vector.load %arg4[%get3A_34, %get3A_35] : memref<1x128xf32, #tpu.memory_space<vmem>>, vector<1x128xf32>
    %add3A_37 = vector.broadcast %get3A_36 : vector<1x128xf32> to vector<400x128xf32>
    %add3A_38 = arith.addf %mul3A_33, %add3A_37 : vector<400x128xf32>
    %swap3A = arith.constant 0 : index
    %swap3A_39 = arith.constant 0 : index
    %swap3A_40 = vector.load %arg5[%swap3A, %swap3A_39] : memref<400x128xf32, #tpu.memory_space<vmem>>, vector<400x128xf32>
    tpu.vector_store %arg5[%swap3A, %swap3A_39], %add3A_38 {strides = array<i32>} : memref<400x128xf32, #tpu.memory_space<vmem>>, vector<400x128xf32>,
    return
  }
  func.func @transform_0(%arg0: i32) -> (i32, i32, i32) {
    %c0_i32 = arith.constant 0 : i32
    %c0_i32_0 = arith.constant 0 : i32
    %c0_i32_1 = arith.constant 0 : i32
    return %c0_i32, %arg0, %c0_i32_0 : i32, i32, i32
  }
  func.func @transform_1(%arg0: i32) -> (i32, i32, i32) {
    %c0_i32 = arith.constant 0 : i32
    %c0_i32_0 = arith.constant 0 : i32
    %c0_i32_1 = arith.constant 0 : i32
    return %c0_i32, %arg0, %c0_i32_0 : i32, i32, i32
  }
  func.func @transform_2(%arg0: i32) -> (i32, i32) {
    %c0_i32 = arith.constant 0 : i32
    %c0_i32_0 = arith.constant 0 : i32
    return %arg0, %c0_i32 : i32, i32
  }
  func.func @transform_3(%arg0: i32) -> (i32, i32) {
    %c0_i32 = arith.constant 0 : i32
    %c0_i32_0 = arith.constant 0 : i32
    %c0_i32_1 = arith.constant 0 : i32
    return %c0_i32, %c0_i32_0 : i32, i32
  }
  func.func @transform_4(%arg0: i32) -> (i32, i32) {
    %c0_i32 = arith.constant 0 : i32
    %c0_i32_0 = arith.constant 0 : i32
    return %arg0, %c0_i32 : i32, i32
  }
}

</mosaic_0001>

<sc_bundles>
// kernel: kernel.10.cloned.1.call-start
scs
__scs_entry_jumppad:
0x0: {  	(pc) =	sbr.rel $0x88, $3  }
0x1: {  	(tag) =	ssettag $0x0;
	lr =	simm.s32 $0x1  }
0x2: {  	[smem:$0x3F9D] =	sst lr;
	_ =	strace $0xD0000000  }
0x3: {  	_ = 	snop  }
0x4: {  	_ = 	snop  }
0x5: {  	_ = 	snop  }
0x6: {  	_ = 	snop  }
0x7: {  	_ = 	snop  }
__scs_overlays_trampoline_lowered:
0x8: {  	[smem:$0x3FAC] =	sst s0  }
0x9: {  	[smem:$0x3FAD] =	sst s1  }
0xa: {  	[smem:$0x3FAE] =	sst s2  }
0xb: {  	[smem:$0x3FAF] =	sst s3  }
0xc: {  	[smem:$0x3FB0] =	sst s4  }
0xd: {  	[smem:$0x3FB1] =	sst s5  }
0xe: {  	[smem:$0x3FB2] =	sst s6  }
0xf: {  	[smem:$0x3FB3] =	sst s7  }
0x10: {  	[smem:$0x3FB4] =	sst s8  }
0x11: {  	[smem:$0x3FB5] =	sst s9;
	s0 =	simm.s32 @!p0 $0x0  }
0x12: {  	s1 =	sld [smem:$0x3F9B];
	s0 =	simm.s32 @p0 $0x1  }
0x13: {  	[smem:$0x3FB6] =	sst s0;
	s0 =	simm.s32 @!p1 $0x0  }
0x14: {  	s2 =	sld [smem:$0x3F9A];
	s0 =	simm.s32 @p1 $0x1  }
0x15: {  	[smem:$0x3FB7] =	sst s0;
	s0 =	simm.s32 @!p2 $0x0  }
0x16: {  	s3 =	sld [smem:$0x3FDB];
	s0 =	simm.s32 @p2 $0x1  }
0x17: {  	s4 =	simm.s32 $0x1BF5;
	[smem:$0x3FB9] =	sst s0  }
0x18: {  	s0 =	sld [smem:$0x3F9C];
	_ =	swait.ge [sflag:s4], $0x0  }
0x19: {  	s7 =	sld [smem:$0x3F9D]  }
0x1a: {  	s8 =	sadd.s32 $0xFFFFE003, lr  }
0x1b: {  	s9 =	sadd.s32 $0xFFFFFEF7, lr;
	s5 =	simm.s32 $0xFFFFFFFF;
	p2 =	slt.u32 s8, $0xFFFFF086  }
0x1c: {  	p1 =	slt.u32 s9, $0xF7A;
	s5 =	simm.s32 @!p2 $0x0  }
0x1d: {  	s5 =	simm.s32 @p1 $0x1;
	p0 =	seq.s32 s7, s2  }
0x1e: {  	s7 =	smul.u32 @!p0 $0xF7A, s2;
	p2 =	seq.s32 @!p0 s5, $0x0  }
0x1f: {  	s9 =	smul.u32 $0xF7A, s1;
	s8 =	simm.s32 @!p0 $0x1BF5;
	p2 =	por !p2, p0  }
0x20: {  	[sflag:s8] =	ssyncset.s32 @!p0 $0xFFFFF086;
	s6 =	sadd.s32 @!p0 s3, s7;
	s7 =	simm.s32 @!p0 $0x108  }
0x21: {  	s3 =	sadd.s32 s3, s9;
	s6 =	sadd.s32 @!p0 $0x88, s6;
	s7 =	simm.s32 @p2 $0x1082  }
0x22: {  	[simem:s7], [sflag:s8] =	dma.local @!p0 [hbm:s6], $0xF7A  }
0x23: {  	s9 =	sor.u32 $0xD0000000, s2;
	s6 =	simm.s32 $0x108;
	_ =	swait.ge @!p0 [sflag:s8], $0x0  }
0x24: {  	s3 =	sadd.s32 $0x88, s3;
	s6 =	simm.s32 @!p1 $0x1082;
	[sflag:s4] =	ssyncset.s32 $0xFFFFF086  }
0x25: {  	[simem:s6], [sflag:s4] =	dma.local [hbm:s3], $0xF7A  }
0x26: {  	[smem:$0x3F9D] =	sst s1;
	(tag) =	ssettag s2;
	_ =	strace s9  }
0x27: {  	s1 =	sld [smem:$0x3FAD]  }
0x28: {  	s2 =	sld [smem:$0x3FAE]  }
0x29: {  	s4 =	sld [smem:$0x3FB0]  }
0x2a: {  	p0 =	seq.s32 s5, $0x0;
	s5 =	sld [smem:$0x3FB1]  }
0x2b: {  	s6 =	sld [smem:$0x3FB2]  }
0x2c: {  	s7 =	sld [smem:$0x3FB3]  }
0x2d: {  	s3 =	simm.s32 $0x108;
	s8 =	sld [smem:$0x3FB4]  }
0x2e: {  	s3 =	simm.s32 @!p0 $0x1082;
	s9 =	sld [smem:$0x3FB5]  }
0x2f: {  	lr =	sadd.s32 s0, s3;
	s0 =	sld [smem:$0x3FAC]  }
0x30: {  	s3 =	sld [smem:$0x3FAF]  }
0x31: {  	[smem:$0x3FB8] =	sst s10  }
0x32: {  	s10 =	sld [smem:$0x3FB6];
	_ =	sdelay $0x3  }
0x33: {  	p0 =	seq.s32 s10, $0x1;
	s10 =	sld [smem:$0x3FB8];
	_ =	sdelay $0x3  }
0x34: {  	[smem:$0x3FB8] =	sst s10  }
0x35: {  	s10 =	sld [smem:$0x3FB7];
	_ =	sdelay $0x3  }
0x36: {  	p1 =	seq.s32 s10, $0x1;
	s10 =	sld [smem:$0x3FB8];
	_ =	sdelay $0x3  }
0x37: {  	[smem:$0x3FB8] =	sst s10  }
0x38: {  	s10 =	sld [smem:$0x3FB9]  }
0x39: {  	_ = 	snop;
	(pc) =	sbr.ind lr, $3  }
0x3a: {  	_ = 	snop  }
0x3b: {  	_ = 	snop  }
0x3c: {  	p2 =	seq.s32 s10, $0x1;
	s10 =	sld [smem:$0x3FB8]  }
0x3d: {  	_ =	shalt  }
0x3e: {  	_ =	shalt  }
0x3f: {  	_ =	shalt  }
0x40: {  	_ =	shalt  }
0x41: {  	_ =	shalt  }
0x42: {  	_ =	shalt  }
0x43: {  	_ =	shalt  }
0x44: {  	_ =	shalt  }
0x45: {  	_ =	shalt  }
0x46: {  	_ =	shalt  }
0x47: {  	_ =	shalt  }
0x48: {  	_ =	shalt  }
0x49: {  	_ =	shalt  }
0x4a: {  	_ =	shalt  }
0x4b: {  	_ =	shalt  }
0x4c: {  	_ =	shalt  }
0x4d: {  	_ =	shalt  }
0x4e: {  	_ =	shalt  }
0x4f: {  	_ =	shalt  }
0x50: {  	_ =	shalt  }
0x51: {  	_ =	shalt  }
0x52: {  	_ =	shalt  }
0x53: {  	_ =	shalt  }
0x54: {  	_ =	shalt  }
0x55: {  	_ =	shalt  }
0x56: {  	_ =	shalt  }
0x57: {  	_ =	shalt  }
0x58: {  	_ =	shalt  }
0x59: {  	_ =	shalt  }
0x5a: {  	_ =	shalt  }
0x5b: {  	_ =	shalt  }
0x5c: {  	_ =	shalt  }
0x5d: {  	_ =	shalt  }
0x5e: {  	_ =	shalt  }
0x5f: {  	_ =	shalt  }
0x60: {  	_ =	shalt  }
0x61: {  	_ =	shalt  }
0x62: {  	_ =	shalt  }
0x63: {  	_ =	shalt  }
0x64: {  	_ =	shalt  }
0x65: {  	_ =	shalt  }
0x66: {  	_ =	shalt  }
0x67: {  	_ =	shalt  }
0x68: {  	_ =	shalt  }
0x69: {  	_ =	shalt  }
0x6a: {  	_ =	shalt  }
0x6b: {  	_ =	shalt  }
0x6c: {  	_ =	shalt  }
0x6d: {  	_ =	shalt  }
0x6e: {  	_ =	shalt  }
0x6f: {  	_ =	shalt  }
0x70: {  	_ =	shalt  }
0x71: {  	_ =	shalt  }
0x72: {  	_ =	shalt  }
0x73: {  	_ =	shalt  }
0x74: {  	_ =	shalt  }
0x75: {  	_ =	shalt  }
0x76: {  	_ =	shalt  }
0x77: {  	_ =	shalt  }
0x78: {  	_ =	shalt  }
0x79: {  	_ =	shalt  }
0x7a: {  	_ =	shalt  }
0x7b: {  	_ =	shalt  }
0x7c: {  	_ =	shalt  }
0x7d: {  	_ =	shalt  }
0x7e: {  	_ =	shalt  }
0x7f: {  	_ =	shalt  }
0x80: {  	_ =	shalt  }
0x81: {  	_ =	shalt  }
0x82: {  	_ =	shalt  }
0x83: {  	_ =	shalt  }
0x84: {  	_ =	shalt  }
0x85: {  	_ =	shalt  }
0x86: {  	_ =	shalt  }
0x87: {  	_ =	shalt  }
.Lfunc_end0:
.L_simem_size_0:
called_computation.1_lowered:
.L_overlay_start_0:
0x88: {  	s2 =	sld [smem:$0x3FD9]  }
0x89: {  	s3 =	sld [smem:$0x3FFE];
	_ =	sdelay $0x1  }
0x8a: {  	s1 =	srdreg.scid  }
0x8b: {  	s0 =	sand.u32 $0x1, s1  }
0x8c: {  	s17 =	sshll.u32 s0, $0xA;
	s2 =	sadd.s32 s3, s2  }
0x8d: {  	s2 =	sadd.s32 s2, s17  }
0x8e: {  	[smem:$0x3FC4] =	sst s2  }
0x8f: {  	_ = 	snop  }
0x90: {  	s2 =	sld [smem:$0x3FD0];
	(tm) =	ssettm $0x1  }
0x91: {  	s18 =	sld [smem:$0x3FFB];
	_ =	sdelay $0x3  }
0x92: {  	_ =	strace s18  }
0x93: {  	s3 =	sld [smem:$0x3FFC];
	_ =	sdelay $0x3  }
0x94: {  	_ =	strace s3  }
0x95: {  	s3 =	sld [smem:$0x3FFD];
	_ =	sdelay $0x3  }
0x96: {  	_ =	strace s3  }
0x97: {  	_ =	strace $0x8FFFFFFF  }
0x98: {  	s19 =	sld [smem:$0x3FDB];
	_ =	sdelay $0x1  }
0x99: {  	s4 =	simm.s32 $_scs_section_size  }
0x9a: {  	s5 =	simm.s32 $_size__tile_overlayer_lowered;
	s6 =	simm.s32 $_tile_overlayer_lowered  }
0x9b: {  	s22 =	simm.s32 $0x1BFF;
	s21 =	sshll.u32 s6, $0x1;
	s3 =	sadd.s32 s4, s19  }
0x9c: {  	s7 =	simm.s32 $0x0;
	s20 =	sshll.u32 s5, $0x1;
	s5 =	sadd.s32 s21, s3  }
0x9d: {  	[timem:s7], [sflag:s22] =	dma.local [hbm:s5], s20  }
0x9e: {  	_ =	swait.ge [sflag:s22], s20  }
0x9f: {  	s4 =	ssub.s32 $0x0, s20;
	[sflag:s22] =	ssyncset.done $0x0  }
0xa0: {  	[sflag:s22] =	ssyncadd.s32 s4;
	_ =	sdelay $0x1  }
0xa1: {  	s23 =	simm.s32 $0x1B8B  }
0xa2: {  	_ =	swait.ge [sflag:s23], $0x1  }
0xa3: {  	[sflag:s23] =	ssyncset.done $0x0  }
0xa4: {  	s25 =	simm.s32 $0x1B8E;
	s24 =	sld [smem:$0x3FFE];
	[sflag:s23] =	ssyncadd.s32 $0xFFFFFFFF  }
0xa5: {  	s26 =	simm.s32 $execute0_lowered;
	[smem:$0x3FD2] =	sst s25  }
0xa6: {  	s5 =	sshll.u32 s26, $0x1;
	_ =	strace $0x80000049;
	[dreg:$0x1] =	wrdreg $0xFFFFFFFF  }
0xa7: {  	s28 =	simm.s32 $_size_execute0_lowered;
	s3 =	sadd.s32 s3, s5;
	[dreg:$0x0] =	wrdreg $0x0  }
0xa8: {  	s5 =	sshll.u32 s28, $0x1;
	[dreg:$0x2] =	wrdreg s3  }
0xa9: {  	[dreg:$0x3] =	wrdreg s5  }
0xaa: {  	[dreg:$0x4] =	wrdreg $0xC0  }
0xab: {  	_ =	task [dreg:s7], $0x5FFFF  }
0xac: {  	[dreg:$0x1] =	wrdreg $0xFFFFFFFF  }
0xad: {  	[dreg:$0x0] =	wrdreg $0x60  }
0xae: {  	[dreg:$0x2] =	wrdreg s2  }
0xaf: {  	[dreg:$0x3] =	wrdreg s24  }
0xb0: {  	[dreg:$0x4] =	wrdreg $0x88000  }
0xb1: {  	[dreg:$0x5] =	wrdreg $0x9  }
0xb2: {  	_ =	task.clear_ibuf [dreg:s7], $0x6FFFF;
	_ =	strace $0x90000049  }
0xb3: {  	s29 =	simm.s32 $0x9;
	_ =	strace $0x8000004B  }
0xb4: {  	_ =	swait.ge [sflag:s29], $0x1  }
0xb5: {  	[sflag:s29] =	ssyncadd.s32 $0xFFFFFFFF  }
0xb6: {  	_ =	strace $0x9000004B  }
0xb7: {  	_ =	sfence  }
0xb8: {  	s30 =	sld [smem:$0x0];
	_ =	sdelay $0x2  }
0xb9: {  	s31 =	sshll.u32 s1, $0xD;
	s1 =	sshrl.u32 s1, $0x2  }
0xba: {  	s3 =	sand.u32 $0x4000, s31;
	s1 =	sadd.s32 s1, s30  }
0xbb: {  	s0 =	sor.u32 s3, s0;
	s1 =	sshll.u32 s1, $0x11  }
0xbc: {  	s0 =	sor.u32 s1, s0  }
0xbd: {  	s0 =	sadd.s32 $0x8F2B, s0  }
0xbe: {  	[sflag:s0] =	ssyncadd.remote.s32 $0x1  }
0xbf: {  	_ =	sfence.sel $0xFFFF  }
0xc0: {  	[dreg:$0x0] =	wrdreg $0xFFFFFFFF;
	(pc) =	sbr.abs _section_cstart, $3  }
0xc1: {  	[dreg:$0x1] =	wrdreg $0xFFFFFFFF  }
0xc2: {  	_ =	task.clear_ibuf [dreg:s7], $0x2FFFF;
	_ =	strace $0x9FFFFFFF  }
0xc3: {  	(tm) =	ssettm $0x7FFFFFFF  }
tec
execute0_lowered:
.L_overlay_start_1:
0x0: {  	(tag) =	ssettag $0x1  }
0x1: {  	s2 =	rddreg [dreg:$0x0]  }
0x2: {  	s0 =	rddreg [dreg:$0x1]  }
0x3: {  	s3 =	rddreg [dreg:$0x2]  }
0x4: {  	s8 =	stileid.u32;
	s1 =	srdreg.scid  }
0x5: {  	s19 =	simm.s32 $0xC0;
	s20 =	simm.s32 $0x100;
	s21 =	simm.s32 $0x140  }
0x6: {  	s22 =	simm.s32 $0x480;
	s23 =	simm.s32 $0x180;
	s24 =	simm.s32 $0x1C0  }
0x7: {  	s25 =	simm.s32 $0x500;
	s26 =	simm.s32 $0x200;
	s4 =	smul.u32 $0x18, s8  }
0x8: {  	s28 =	simm.s32 $0x280;
	s29 =	simm.s32 $0x2C0;
	s5 =	smul.u32 $0x88, s8  }
0x9: {  	s30 =	simm.s32 $0x600;
	s1 =	sand.u32 $0x1, s1;
	s9 =	smul.u32 $0x14000, s8  }
0xa: {  	s31 =	simm.s32 $0x300;
	s8 =	smul.u32 $0x50000, s8;
	p0 =	seq.s32 s1, $0x0  }
0xb: {  	s7 =	smul.u32 $0x140000, s1;
	s6 =	sadd.s32 $0x880, s4;
	s4 =	simm.s32 $0x0  }
0xc: {  	s1 =	ssub.s32 $0x2, s1;
	s10 =	sshrl.u32 s8, $0x2;
	[smem:$0x7FF] =	sst s4  }
0xd: {  	s8 =	simm.s32 $0x700;
	_ =	strace $0x8000004A;
	[dreg:$0x4] =	wrdreg s19  }
0xe: {  	s6 =	smov.u32 @p0 s5;
	s5 =	sadd.s32 s9, s7;
	[dreg:$0x5] =	wrdreg s20  }
0xf: {  	s9 =	sshrl.u32 s1, $0x1;
	s14 =	sadd.s32 s10, s3;
	[dreg:$0x6] =	wrdreg s21  }
0x10: {  	s10 =	simm.s32 $0x780;
	s6 =	sshll.u32 s6, $0x4;
	[dreg:$0x7] =	wrdreg s22  }
0x11: {  	s11 =	sshrl.u32 s5, $0x3;
	s1 =	ssub.s32 s1, s9;
	[dreg:$0x8] =	wrdreg s23  }
0x12: {  	s12 =	sadd.s32 $0x4000, s14;
	s13 =	sadd.s32 $0x8000, s14;
	[dreg:$0x9] =	wrdreg s24  }
0x13: {  	s15 =	sadd.s32 $0xC000, s14;
	s5 =	simm.s32 $0x11;
	[dreg:$0xa] =	wrdreg s25  }
0x14: {  	s7 =	sadd.s32 $0x10000, s14;
	s19 =	simm.s32 $0x2800;
	[dreg:$0xb] =	wrdreg s26  }
0x15: {  	s20 =	simm.s32 $0x80;
	s21 =	simm.s32 $0x4800;
	[dreg:$0xc] =	wrdreg s14  }
0x16: {  	s22 =	simm.s32 $0x6800;
	s23 =	simm.s32 $0x1;
	[dreg:$0xd] =	wrdreg s12  }
0x17: {  	s24 =	simm.s32 $0x2;
	s25 =	simm.s32 $0x240;
	[dreg:$0xe] =	wrdreg s13  }
0x18: {  	s26 =	simm.s32 $0x580;
	s6 =	sadd.s32 s6, s0;
	[dreg:$0xf] =	wrdreg s15  }
0x19: {  	s0 =	sadd.s32 s11, s0;
	[dreg:$0x11] =	wrdreg s7;
	s5 =	simm.s32 @!p0 $0x3  }
0x1a: {  	s16 =	smax.u32 s1, $0x1;
	s15 =	simm.s32 $0x800;
	[dreg:$0x10] =	wrdreg s5  }
0x1b: {  	s1 =	simm.s32 $0x340;
	s0 =	sadd.s32 $0x15A00, s0;
	[dreg:$0x13] =	wrdreg s16  }
0x1c: {  	s7 =	simm.s32 $0x3C0;
	s17 =	sadd.s32 $0xBA00, s6;
	[dreg:$0x12] =	wrdreg s0  }
0x1d: {  	s11 =	simm.s32 $0x0;
	s18 =	sadd.s32 $0x1A00, s6;
	[dreg:$0x14] =	wrdreg s17  }
0x1e: {  	s16 =	simm.s32 $0x3;
	s6 =	simm.s32 $0x380;
	[dreg:$0x15] =	wrdreg s18  }
0x1f: {  	v0 =	vimm.f32 $0.0e+00;
	s17 =	simm.s32 $0x400;
	s18 =	simm.s32 $0x40;
	s0 =	simm.s32 $0x680  }
.LBB2_1:
0x20: {  	s12 =	simm.s32 $0x0;
	s13 =	simm.s32 $0x200  }
.LBB2_2:
0x21: {  	p0 =	sne.s32 s13, $0xFE00;
	[tilespmem:s12+$0x870] =	vst v0  }
0x22: {  	[tilespmem:s12+$0x800] =	vst v0  }
0x23: {  	[tilespmem:s12+$0x810] =	vst v0  }
.Ltmp0:
0x24: {  	[tilespmem:s12+$0x820] =	vst v0;
	(pc) =	sbr.rel @p0 .LBB2_2-.Ltmp0, $4  }
0x25: {  	[tilespmem:s12+$0x830] =	vst v0  }
0x26: {  	[tilespmem:s12+$0x840] =	vst v0  }
0x27: {  	[tilespmem:s12+$0x850] =	vst v0  }
0x28: {  	[tilespmem:s12+$0x860] =	vst v0;
	s12 =	sshra.s32 s13, $0x2;
	s13 =	sadd.s32 $0x200, s13  }
0x29: {  	[tilespmem:s12+$0x870] =	vst v0  }
0x2a: {  	[tilespmem:s12+$0x800] =	vst v0  }
0x2b: {  	[tilespmem:s12+$0x810] =	vst v0  }
0x2c: {  	[tilespmem:s12+$0x820] =	vst v0  }
0x2d: {  	[tilespmem:s12+$0x830] =	vst v0  }
0x2e: {  	[tilespmem:s12+$0x840] =	vst v0  }
0x2f: {  	[tilespmem:s12+$0x850] =	vst v0  }
0x30: {  	[tilespmem:s12+$0x860] =	vst v0  }
0x31: {  	[spmem:s14] =	stream.linear.scatter [tilespmem:s15], [sflag:$0x3], $0x4000, $0x38;
	[tilespmem:$0x1C800] =	vst v63  }
0x32: {  	_ =	swait.ge [sflag:s16], $0x4000  }
0x33: {  	[sflag:s16] =	ssyncset.done $0x0  }
0x34: {  	s5 =	rddreg [dreg:$0xd];
	[sflag:s16] =	ssyncadd.s32 $0xFFFFC000  }
0x35: {  	[spmem:s5] =	stream.linear.scatter [tilespmem:s15], [sflag:$0x3], $0x4000, $0x38;
	[tilespmem:$0x1C800] =	vst v63  }
0x36: {  	_ =	swait.ge [sflag:s16], $0x4000  }
0x37: {  	[sflag:s16] =	ssyncset.done $0x0  }
0x38: {  	s14 =	rddreg [dreg:$0xe];
	[sflag:s16] =	ssyncadd.s32 $0xFFFFC000  }
0x39: {  	[spmem:s14] =	stream.linear.scatter [tilespmem:s15], [sflag:$0x3], $0x4000, $0x38;
	[tilespmem:$0x1C800] =	vst v63  }
0x3a: {  	_ =	swait.ge [sflag:s16], $0x4000  }
0x3b: {  	[sflag:s16] =	ssyncset.done $0x0  }
0x3c: {  	s9 =	rddreg [dreg:$0xf];
	[sflag:s16] =	ssyncadd.s32 $0xFFFFC000  }
0x3d: {  	[spmem:s9] =	stream.linear.scatter [tilespmem:s15], [sflag:$0x3], $0x4000, $0x38;
	[tilespmem:$0x1C800] =	vst v63  }
0x3e: {  	_ =	swait.ge [sflag:s16], $0x4000  }
0x3f: {  	[sflag:s16] =	ssyncset.done $0x0  }
0x40: {  	s12 =	rddreg [dreg:$0x11];
	[sflag:s16] =	ssyncadd.s32 $0xFFFFC000  }
0x41: {  	[spmem:s12] =	stream.linear.scatter [tilespmem:s15], [sflag:$0x3], $0x4000, $0x38;
	[tilespmem:$0x1C800] =	vst v63  }
0x42: {  	_ =	swait.ge [sflag:s16], $0x4000  }
0x43: {  	[sflag:s16] =	ssyncset.done $0x0  }
0x44: {  	[sflag:s16] =	ssyncadd.s32 $0xFFFFC000  }
0x45: {  	[bflag:$0x0] =	sbarrier.arrive $0xFFFF  }
0x46: {  	s14 =	rddreg [dreg:$0x15]  }
0x47: {  	[tilespmem:s4], [sflag:$0x3] =	stream.linear.gather [hbm4b:s14+s4], $0x400, $0x38;
	[tilespmem:$0x1C800] =	vst v63  }
0x48: {  	_ =	swait.ge [sflag:s16], $0x400  }
0x49: {  	[sflag:s16] =	ssyncset.done $0x0  }
0x4a: {  	s9 =	rddreg [dreg:$0x14];
	[sflag:s16] =	ssyncadd.s32 $0xFFFFFC00  }
0x4b: {  	[tilespmem:s17], [sflag:$0x3] =	stream.linear.gather [hbm4b:s9+s4], $0x400, $0x38;
	[tilespmem:$0x1C800] =	vst v63  }
0x4c: {  	_ =	swait.ge [sflag:s16], $0x400  }
0x4d: {  	[sflag:s16] =	ssyncset.done $0x0  }
0x4e: {  	[sflag:s16] =	ssyncadd.s32 $0xFFFFFC00  }
0x4f: {  	[tilespmem:s15], [sflag:$0x1] =	stream.indirect.gather [hbm4b:s2+s18], $0x80, s4, s18, $0xb8;
	[tilespmem:$0x1C800] =	vst v63  }
0x50: {  	_ = 	snop  }
0x51: {  	[tilespmem:s19], [sflag:$0x1] =	stream.indirect.gather [hbm4b:s2+s18], $0x80, s18, s18, $0xb8;
	[tilespmem:$0x1C800] =	vst v63  }
0x52: {  	_ = 	snop  }
0x53: {  	[tilespmem:s21], [sflag:$0x2] =	stream.indirect.gather [hbm4b:s2+s18], $0x80, s20, s18, $0xb8;
	[tilespmem:$0x1C800] =	vst v63  }
0x54: {  	s13 =	rddreg [dreg:$0x4]  }
0x55: {  	[tilespmem:s22], [sflag:$0x2] =	stream.indirect.gather [hbm4b:s2+s18], $0x80, s13, s18, $0xb8;
	[tilespmem:$0x1C800] =	vst v63  }
0x56: {  	_ =	swait.ge [sflag:s23], $0x4000  }
0x57: {  	[sflag:s23] =	ssyncset.done $0x0  }
0x58: {  	[sflag:s23] =	ssyncadd.s32 $0xFFFFC000  }
0x59: {  	[spmem:s3] =	stream.indirect.scatter.add.f32 [tilespmem:s15], [sflag:$0x3], $0x80, s17, s20, $0xb8;
	[tilespmem:$0x1C800] =	vst v63  }
0x5a: {  	_ =	swait.ge [sflag:s16], $0x4000  }
0x5b: {  	[sflag:s16] =	ssyncset.done $0x0  }
0x5c: {  	s5 =	rddreg [dreg:$0x5];
	[sflag:s16] =	ssyncadd.s32 $0xFFFFC000  }
0x5d: {  	[tilespmem:s15], [sflag:$0x1] =	stream.indirect.gather [hbm4b:s2+s18], $0x80, s5, s18, $0xb8;
	[tilespmem:$0x1C800] =	vst v63  }
0x5e: {  	s13 =	rddreg [dreg:$0x6]  }
0x5f: {  	[tilespmem:s19], [sflag:$0x1] =	stream.indirect.gather [hbm4b:s2+s18], $0x80, s13, s18, $0xb8;
	[tilespmem:$0x1C800] =	vst v63  }
0x60: {  	_ =	swait.ge [sflag:s24], $0x4000  }
0x61: {  	[sflag:s24] =	ssyncset.done $0x0  }
0x62: {  	s5 =	rddreg [dreg:$0x7];
	[sflag:s24] =	ssyncadd.s32 $0xFFFFC000  }
0x63: {  	[spmem:s3] =	stream.indirect.scatter.add.f32 [tilespmem:s21], [sflag:$0x3], $0x80, s5, s20, $0xb8;
	[tilespmem:$0x1C800] =	vst v63  }
0x64: {  	_ =	swait.ge [sflag:s16], $0x4000  }
0x65: {  	[sflag:s16] =	ssyncset.done $0x0  }
0x66: {  	s13 =	rddreg [dreg:$0x8];
	[sflag:s16] =	ssyncadd.s32 $0xFFFFC000  }
0x67: {  	[tilespmem:s21], [sflag:$0x2] =	stream.indirect.gather [hbm4b:s2+s18], $0x80, s13, s18, $0xb8;
	[tilespmem:$0x1C800] =	vst v63  }
0x68: {  	s5 =	rddreg [dreg:$0x9]  }
0x69: {  	[tilespmem:s22], [sflag:$0x2] =	stream.indirect.gather [hbm4b:s2+s18], $0x80, s5, s18, $0xb8;
	[tilespmem:$0x1C800] =	vst v63  }
0x6a: {  	_ =	swait.ge [sflag:s23], $0x4000  }
0x6b: {  	[sflag:s23] =	ssyncset.done $0x0  }
0x6c: {  	s13 =	rddreg [dreg:$0xa];
	[sflag:s23] =	ssyncadd.s32 $0xFFFFC000  }
0x6d: {  	[spmem:s3] =	stream.indirect.scatter.add.f32 [tilespmem:s15], [sflag:$0x3], $0x80, s13, s20, $0xb8;
	[tilespmem:$0x1C800] =	vst v63  }
0x6e: {  	_ =	swait.ge [sflag:s16], $0x4000  }
0x6f: {  	[sflag:s16] =	ssyncset.done $0x0  }
0x70: {  	s5 =	rddreg [dreg:$0xb];
	[sflag:s16] =	ssyncadd.s32 $0xFFFFC000  }
0x71: {  	[tilespmem:s15], [sflag:$0x1] =	stream.indirect.gather [hbm4b:s2+s18], $0x80, s5, s18, $0xb8;
	[tilespmem:$0x1C800] =	vst v63  }
0x72: {  	_ = 	snop  }
0x73: {  	[tilespmem:s19], [sflag:$0x1] =	stream.indirect.gather [hbm4b:s2+s18], $0x80, s25, s18, $0xb8;
	[tilespmem:$0x1C800] =	vst v63  }
0x74: {  	_ =	swait.ge [sflag:s24], $0x4000  }
0x75: {  	[sflag:s24] =	ssyncset.done $0x0  }
0x76: {  	[sflag:s24] =	ssyncadd.s32 $0xFFFFC000  }
0x77: {  	[spmem:s3] =	stream.indirect.scatter.add.f32 [tilespmem:s21], [sflag:$0x3], $0x80, s26, s20, $0xb8;
	[tilespmem:$0x1C800] =	vst v63  }
0x78: {  	_ =	swait.ge [sflag:s16], $0x4000  }
0x79: {  	[sflag:s16] =	ssyncset.done $0x0  }
0x7a: {  	[sflag:s16] =	ssyncadd.s32 $0xFFFFC000  }
0x7b: {  	[tilespmem:s21], [sflag:$0x2] =	stream.indirect.gather [hbm4b:s2+s18], $0x80, s28, s18, $0xb8;
	[tilespmem:$0x1C800] =	vst v63  }
0x7c: {  	_ = 	snop  }
0x7d: {  	[tilespmem:s22], [sflag:$0x2] =	stream.indirect.gather [hbm4b:s2+s18], $0x80, s29, s18, $0xb8;
	[tilespmem:$0x1C800] =	vst v63  }
0x7e: {  	_ =	swait.ge [sflag:s23], $0x4000  }
0x7f: {  	[sflag:s23] =	ssyncset.done $0x0  }
0x80: {  	[sflag:s23] =	ssyncadd.s32 $0xFFFFC000  }
0x81: {  	[spmem:s3] =	stream.indirect.scatter.add.f32 [tilespmem:s15], [sflag:$0x3], $0x80, s30, s20, $0xb8;
	[tilespmem:$0x1C800] =	vst v63  }
0x82: {  	_ =	swait.ge [sflag:s16], $0x4000  }
0x83: {  	[sflag:s16] =	ssyncset.done $0x0  }
0x84: {  	[sflag:s16] =	ssyncadd.s32 $0xFFFFC000  }
0x85: {  	[tilespmem:s15], [sflag:$0x1] =	stream.indirect.gather [hbm4b:s2+s18], $0x80, s31, s18, $0xb8;
	[tilespmem:$0x1C800] =	vst v63  }
0x86: {  	_ = 	snop  }
0x87: {  	[tilespmem:s19], [sflag:$0x1] =	stream.indirect.gather [hbm4b:s2+s18], $0x80, s1, s18, $0xb8;
	[tilespmem:$0x1C800] =	vst v63  }
0x88: {  	_ =	swait.ge [sflag:s24], $0x4000  }
0x89: {  	[sflag:s24] =	ssyncset.done $0x0  }
0x8a: {  	[sflag:s24] =	ssyncadd.s32 $0xFFFFC000  }
0x8b: {  	[spmem:s3] =	stream.indirect.scatter.add.f32 [tilespmem:s21], [sflag:$0x3], $0x80, s0, s20, $0xb8;
	[tilespmem:$0x1C800] =	vst v63  }
0x8c: {  	_ =	swait.ge [sflag:s16], $0x4000  }
0x8d: {  	[sflag:s16] =	ssyncset.done $0x0  }
0x8e: {  	[sflag:s16] =	ssyncadd.s32 $0xFFFFC000  }
0x8f: {  	[tilespmem:s21], [sflag:$0x2] =	stream.indirect.gather [hbm4b:s2+s18], $0x80, s6, s18, $0xb8;
	[tilespmem:$0x1C800] =	vst v63  }
0x90: {  	_ = 	snop  }
0x91: {  	[tilespmem:s22], [sflag:$0x2] =	stream.indirect.gather [hbm4b:s2+s18], $0x80, s7, s18, $0xb8;
	[tilespmem:$0x1C800] =	vst v63  }
0x92: {  	_ =	swait.ge [sflag:s23], $0x4000  }
0x93: {  	[sflag:s23] =	ssyncset.done $0x0  }
0x94: {  	[sflag:s23] =	ssyncadd.s32 $0xFFFFC000  }
0x95: {  	[spmem:s3] =	stream.indirect.scatter.add.f32 [tilespmem:s15], [sflag:$0x3], $0x80, s8, s20, $0xb8;
	[tilespmem:$0x1C800] =	vst v63  }
0x96: {  	_ =	swait.ge [sflag:s16], $0x4000  }
0x97: {  	[sflag:s16] =	ssyncset.done $0x0  }
0x98: {  	[sflag:s16] =	ssyncadd.s32 $0xFFFFC000  }
0x99: {  	_ =	swait.ge [sflag:s24], $0x4000  }
0x9a: {  	s13 =	rddreg [dreg:$0x10]  }
0x9b: {  	p0 =	sne.s32 s13, $0x1  }
.Ltmp1:
0x9c: {  	[sflag:s24] =	ssyncset.done $0x0;
	(pc) =	sbr.rel @!p0 .LBB2_5-.Ltmp1, $4  }
0x9d: {  	[sflag:s24] =	ssyncadd.s32 $0xFFFFC000  }
0x9e: {  	[spmem:s3] =	stream.indirect.scatter.add.f32 [tilespmem:s21], [sflag:$0x3], $0x80, s10, s20, $0xb8;
	[tilespmem:$0x1C800] =	vst v63  }
0x9f: {  	_ =	swait.ge [sflag:s16], $0x4000  }
0xa0: {  	s12 =	sadd.s32 $0xFFFFFFFF, s13;
	s13 =	smov.u32 s9;
	[sflag:s16] =	ssyncset.done $0x0  }
.LBB2_4:
0xa1: {  	[sflag:s16] =	ssyncadd.s32 $0xFFFFC000;
	s14 =	sadd.s32 $0x80, s14  }
0xa2: {  	[tilespmem:s4], [sflag:$0x3] =	stream.linear.gather [hbm4b:s14+s4], $0x400, $0x38;
	[tilespmem:$0x1C800] =	vst v63  }
0xa3: {  	_ =	swait.ge [sflag:s16], $0x400  }
0xa4: {  	[sflag:s16] =	ssyncset.done $0x0  }
0xa5: {  	s13 =	sadd.s32 $0x80, s13;
	[sflag:s16] =	ssyncadd.s32 $0xFFFFFC00  }
0xa6: {  	[tilespmem:s17], [sflag:$0x3] =	stream.linear.gather [hbm4b:s13+s4], $0x400, $0x38;
	[tilespmem:$0x1C800] =	vst v63  }
0xa7: {  	_ =	swait.ge [sflag:s16], $0x400  }
0xa8: {  	[sflag:s16] =	ssyncset.done $0x0  }
0xa9: {  	[sflag:s16] =	ssyncadd.s32 $0xFFFFFC00  }
0xaa: {  	[tilespmem:s15], [sflag:$0x1] =	stream.indirect.gather [hbm4b:s2+s18], $0x80, s4, s18, $0xb8;
	[tilespmem:$0x1C800] =	vst v63  }
0xab: {  	_ = 	snop  }
0xac: {  	[tilespmem:s19], [sflag:$0x1] =	stream.indirect.gather [hbm4b:s2+s18], $0x80, s18, s18, $0xb8;
	[tilespmem:$0x1C800] =	vst v63  }
0xad: {  	_ = 	snop  }
0xae: {  	[tilespmem:s21], [sflag:$0x2] =	stream.indirect.gather [hbm4b:s2+s18], $0x80, s20, s18, $0xb8;
	[tilespmem:$0x1C800] =	vst v63  }
0xaf: {  	s9 =	rddreg [dreg:$0x4]  }
0xb0: {  	[tilespmem:s22], [sflag:$0x2] =	stream.indirect.gather [hbm4b:s2+s18], $0x80, s9, s18, $0xb8;
	[tilespmem:$0x1C800] =	vst v63  }
0xb1: {  	_ =	swait.ge [sflag:s23], $0x4000  }
0xb2: {  	[sflag:s23] =	ssyncset.done $0x0  }
0xb3: {  	[sflag:s23] =	ssyncadd.s32 $0xFFFFC000  }
0xb4: {  	[spmem:s3] =	stream.indirect.scatter.add.f32 [tilespmem:s15], [sflag:$0x3], $0x80, s17, s20, $0xb8;
	[tilespmem:$0x1C800] =	vst v63  }
0xb5: {  	_ =	swait.ge [sflag:s16], $0x4000  }
0xb6: {  	[sflag:s16] =	ssyncset.done $0x0  }
0xb7: {  	s9 =	rddreg [dreg:$0x5];
	[sflag:s16] =	ssyncadd.s32 $0xFFFFC000  }
0xb8: {  	[tilespmem:s15], [sflag:$0x1] =	stream.indirect.gather [hbm4b:s2+s18], $0x80, s9, s18, $0xb8;
	[tilespmem:$0x1C800] =	vst v63  }
0xb9: {  	s5 =	rddreg [dreg:$0x6]  }
0xba: {  	[tilespmem:s19], [sflag:$0x1] =	stream.indirect.gather [hbm4b:s2+s18], $0x80, s5, s18, $0xb8;
	[tilespmem:$0x1C800] =	vst v63  }
0xbb: {  	_ =	swait.ge [sflag:s24], $0x4000  }
0xbc: {  	[sflag:s24] =	ssyncset.done $0x0  }
0xbd: {  	s9 =	rddreg [dreg:$0x7];
	[sflag:s24] =	ssyncadd.s32 $0xFFFFC000  }
0xbe: {  	[spmem:s3] =	stream.indirect.scatter.add.f32 [tilespmem:s21], [sflag:$0x3], $0x80, s9, s20, $0xb8;
	[tilespmem:$0x1C800] =	vst v63  }
0xbf: {  	_ =	swait.ge [sflag:s16], $0x4000  }
0xc0: {  	[sflag:s16] =	ssyncset.done $0x0  }
0xc1: {  	s5 =	rddreg [dreg:$0x8];
	[sflag:s16] =	ssyncadd.s32 $0xFFFFC000  }
0xc2: {  	[tilespmem:s21], [sflag:$0x2] =	stream.indirect.gather [hbm4b:s2+s18], $0x80, s5, s18, $0xb8;
	[tilespmem:$0x1C800] =	vst v63  }
0xc3: {  	s9 =	rddreg [dreg:$0x9]  }
0xc4: {  	[tilespmem:s22], [sflag:$0x2] =	stream.indirect.gather [hbm4b:s2+s18], $0x80, s9, s18, $0xb8;
	[tilespmem:$0x1C800] =	vst v63  }
0xc5: {  	_ =	swait.ge [sflag:s23], $0x4000  }
0xc6: {  	[sflag:s23] =	ssyncset.done $0x0  }
0xc7: {  	s9 =	rddreg [dreg:$0xa];
	[sflag:s23] =	ssyncadd.s32 $0xFFFFC000  }
0xc8: {  	[spmem:s3] =	stream.indirect.scatter.add.f32 [tilespmem:s15], [sflag:$0x3], $0x80, s9, s20, $0xb8;
	[tilespmem:$0x1C800] =	vst v63  }
0xc9: {  	_ =	swait.ge [sflag:s16], $0x4000  }
0xca: {  	[sflag:s16] =	ssyncset.done $0x0  }
0xcb: {  	s9 =	rddreg [dreg:$0xb];
	[sflag:s16] =	ssyncadd.s32 $0xFFFFC000  }
0xcc: {  	[tilespmem:s15], [sflag:$0x1] =	stream.indirect.gather [hbm4b:s2+s18], $0x80, s9, s18, $0xb8;
	[tilespmem:$0x1C800] =	vst v63  }
0xcd: {  	_ = 	snop  }
0xce: {  	[tilespmem:s19], [sflag:$0x1] =	stream.indirect.gather [hbm4b:s2+s18], $0x80, s25, s18, $0xb8;
	[tilespmem:$0x1C800] =	vst v63  }
0xcf: {  	_ =	swait.ge [sflag:s24], $0x4000  }
0xd0: {  	[sflag:s24] =	ssyncset.done $0x0  }
0xd1: {  	[sflag:s24] =	ssyncadd.s32 $0xFFFFC000  }
0xd2: {  	[spmem:s3] =	stream.indirect.scatter.add.f32 [tilespmem:s21], [sflag:$0x3], $0x80, s26, s20, $0xb8;
	[tilespmem:$0x1C800] =	vst v63  }
0xd3: {  	_ =	swait.ge [sflag:s16], $0x4000  }
0xd4: {  	[sflag:s16] =	ssyncset.done $0x0  }
0xd5: {  	[sflag:s16] =	ssyncadd.s32 $0xFFFFC000  }
0xd6: {  	[tilespmem:s21], [sflag:$0x2] =	stream.indirect.gather [hbm4b:s2+s18], $0x80, s28, s18, $0xb8;
	[tilespmem:$0x1C800] =	vst v63  }
0xd7: {  	_ = 	snop  }
0xd8: {  	[tilespmem:s22], [sflag:$0x2] =	stream.indirect.gather [hbm4b:s2+s18], $0x80, s29, s18, $0xb8;
	[tilespmem:$0x1C800] =	vst v63  }
0xd9: {  	_ =	swait.ge [sflag:s23], $0x4000  }
0xda: {  	[sflag:s23] =	ssyncset.done $0x0  }
0xdb: {  	[sflag:s23] =	ssyncadd.s32 $0xFFFFC000  }
0xdc: {  	[spmem:s3] =	stream.indirect.scatter.add.f32 [tilespmem:s15], [sflag:$0x3], $0x80, s30, s20, $0xb8;
	[tilespmem:$0x1C800] =	vst v63  }
0xdd: {  	_ =	swait.ge [sflag:s16], $0x4000  }
0xde: {  	[sflag:s16] =	ssyncset.done $0x0  }
0xdf: {  	[sflag:s16] =	ssyncadd.s32 $0xFFFFC000  }
0xe0: {  	[tilespmem:s15], [sflag:$0x1] =	stream.indirect.gather [hbm4b:s2+s18], $0x80, s31, s18, $0xb8;
	[tilespmem:$0x1C800] =	vst v63  }
0xe1: {  	_ = 	snop  }
0xe2: {  	[tilespmem:s19], [sflag:$0x1] =	stream.indirect.gather [hbm4b:s2+s18], $0x80, s1, s18, $0xb8;
	[tilespmem:$0x1C800] =	vst v63  }
0xe3: {  	_ =	swait.ge [sflag:s24], $0x4000  }
0xe4: {  	[sflag:s24] =	ssyncset.done $0x0  }
0xe5: {  	[sflag:s24] =	ssyncadd.s32 $0xFFFFC000  }
0xe6: {  	[spmem:s3] =	stream.indirect.scatter.add.f32 [tilespmem:s21], [sflag:$0x3], $0x80, s0, s20, $0xb8;
	[tilespmem:$0x1C800] =	vst v63  }
0xe7: {  	_ =	swait.ge [sflag:s16], $0x4000  }
0xe8: {  	[sflag:s16] =	ssyncset.done $0x0  }
0xe9: {  	[sflag:s16] =	ssyncadd.s32 $0xFFFFC000  }
0xea: {  	[tilespmem:s21], [sflag:$0x2] =	stream.indirect.gather [hbm4b:s2+s18], $0x80, s6, s18, $0xb8;
	[tilespmem:$0x1C800] =	vst v63  }
0xeb: {  	_ = 	snop  }
0xec: {  	[tilespmem:s22], [sflag:$0x2] =	stream.indirect.gather [hbm4b:s2+s18], $0x80, s7, s18, $0xb8;
	[tilespmem:$0x1C800] =	vst v63  }
0xed: {  	_ =	swait.ge [sflag:s23], $0x4000  }
0xee: {  	[sflag:s23] =	ssyncset.done $0x0  }
0xef: {  	[sflag:s23] =	ssyncadd.s32 $0xFFFFC000  }
0xf0: {  	[spmem:s3] =	stream.indirect.scatter.add.f32 [tilespmem:s15], [sflag:$0x3], $0x80, s8, s20, $0xb8;
	[tilespmem:$0x1C800] =	vst v63  }
0xf1: {  	_ =	swait.ge [sflag:s16], $0x4000  }
0xf2: {  	[sflag:s16] =	ssyncset.done $0x0  }
0xf3: {  	[sflag:s16] =	ssyncadd.s32 $0xFFFFC000  }
0xf4: {  	p0 =	sne.s32 s12, $0x1;
	_ =	swait.ge [sflag:s24], $0x4000  }
.Ltmp2:
0xf5: {  	[sflag:s24] =	ssyncset.done $0x0;
	(pc) =	sbr.rel @p0 .LBB2_4-.Ltmp2, $4  }
0xf6: {  	[sflag:s24] =	ssyncadd.s32 $0xFFFFC000  }
0xf7: {  	[spmem:s3] =	stream.indirect.scatter.add.f32 [tilespmem:s21], [sflag:$0x3], $0x80, s10, s20, $0xb8;
	[tilespmem:$0x1C800] =	vst v63  }
0xf8: {  	_ =	swait.ge [sflag:s16], $0x4000  }
0xf9: {  	s12 =	sadd.s32 $0xFFFFFFFF, s12;
	[sflag:s16] =	ssyncset.done $0x0  }
.LBB2_5:
0xfa: {  	[sflag:s16] =	ssyncadd.s32 $0xFFFFC000  }
0xfb: {  	s5 =	stileid.u32;
	[bflag:$0x0] =	sbarrier.arrive $0xFFFF  }
0xfc: {  	s5 =	sshll.u32 s5, $0x6;
	s14 =	rddreg [dreg:$0xc]  }
0xfd: {  	s5 =	sor.u32 $0x1C03, s5;
	s12 =	rddreg [dreg:$0x12];
	s9 =	sshrl.u32 s14, $0x3  }
0xfe: {  	[hbm:s12], [sflag:s5] =	dma.local [spmem:s9], $0x2800  }
0xff: {  	_ =	swait.ge [sflag:s16], $0x2800  }
0x100: {  	s11 =	sadd.s32 $0x1, s11;
	s13 =	rddreg [dreg:$0x13]  }
0x101: {  	p0 =	sne.s32 s11, s13  }
.Ltmp3:
0x102: {  	_ = 	snop;
	(pc) =	sbr.rel @p0 .LBB2_1-.Ltmp3, $3  }
0x103: {  	_ =	sdelay $0x1  }
0x104: {  	[sflag:s16] =	ssyncset.done $0x0  }
0x105: {  	[sflag:s16] =	ssyncadd.s32 $0xFFFFD800  }
0x106: {  	_ =	sfence.sel $0x180000  }
0x107: {  	[bflag:$0x0] =	sbarrier.arrive $0xFFFF  }
0x108: {  	_ =	strace $0x9000004A  }
0x109: {  	s0 =	stileid.u32;
	[bflag:$0x2] =	sbarrier.arrive $0xFFFF  }
0x10a: {  	p0 =	sne.s32 s0, $0x0;
	s0 =	rddreg [dreg:$0x3]  }
0x10b: {  	s0 =	sadd.s32 @!p0 $0x100000, s0  }
0x10c: {  	[sflag:s0] =	ssyncadd.tile.s32 @!p0 $0x1;
	_ =	shalt  }
.Lfunc_end2:
_tile_overlayer_lowered:
.L_overlay_start_2:
0x10d: {  	(tag) =	ssettag $0x2  }
0x10e: {  	s0 =	rddreg [dreg:$0x0];
	s2 =	stileid.u32  }
0x10f: {  	s1 =	rddreg [dreg:$0x1];
	p0 =	sne.s32 s2, $0x0  }
0x110: {  	s3 =	rddreg [dreg:$0x2];
	[bflag:$0x3] =	sbarrier.arrive $0xFFFF;
	s2 =	simm.s32 @!p0 $0x1C03  }
0x111: {  	[timem:s3], [sflag:s2] =	dma.local @!p0 [hbm:s0], s1  }
0x112: {  	s0 =	simm.s32 @!p0 $0x3  }
0x113: {  	_ =	swait.ge @!p0 [sflag:s0], s1  }
0x114: {  	s1 =	ssub.s32 @!p0 $0x0, s1;
	[sflag:s0] =	ssyncset.done @!p0 $0x0  }
0x115: {  	[sflag:s0] =	ssyncadd.s32 @!p0 s1  }
0x116: {  	[bflag:$0x3] =	sbarrier.arrive $0xFFFF  }
0x117: {  	_ =	shalt  }

// kernel: kernel.7.cloned.1.call-start
scs
__scs_entry_jumppad:
0x0: {  	(pc) =	sbr.rel $0x88, $3  }
0x1: {  	(tag) =	ssettag $0x0;
	lr =	simm.s32 $0x1  }
0x2: {  	[smem:$0x3F9D] =	sst lr;
	_ =	strace $0xD0000000  }
0x3: {  	_ = 	snop  }
0x4: {  	_ = 	snop  }
0x5: {  	_ = 	snop  }
0x6: {  	_ = 	snop  }
0x7: {  	_ = 	snop  }
__scs_overlays_trampoline_lowered:
0x8: {  	[smem:$0x3FAC] =	sst s0  }
0x9: {  	[smem:$0x3FAD] =	sst s1  }
0xa: {  	[smem:$0x3FAE] =	sst s2  }
0xb: {  	[smem:$0x3FAF] =	sst s3  }
0xc: {  	[smem:$0x3FB0] =	sst s4  }
0xd: {  	[smem:$0x3FB1] =	sst s5  }
0xe: {  	[smem:$0x3FB2] =	sst s6  }
0xf: {  	[smem:$0x3FB3] =	sst s7  }
0x10: {  	[smem:$0x3FB4] =	sst s8  }
0x11: {  	[smem:$0x3FB5] =	sst s9;
	s0 =	simm.s32 @!p0 $0x0  }
0x12: {  	s1 =	sld [smem:$0x3F9B];
	s0 =	simm.s32 @p0 $0x1  }
0x13: {  	[smem:$0x3FB6] =	sst s0;
	s0 =	simm.s32 @!p1 $0x0  }
0x14: {  	s2 =	sld [smem:$0x3F9A];
	s0 =	simm.s32 @p1 $0x1  }
0x15: {  	[smem:$0x3FB7] =	sst s0;
	s0 =	simm.s32 @!p2 $0x0  }
0x16: {  	s3 =	sld [smem:$0x3FDB];
	s0 =	simm.s32 @p2 $0x1  }
0x17: {  	s4 =	simm.s32 $0x1BF5;
	[smem:$0x3FB9] =	sst s0  }
0x18: {  	s0 =	sld [smem:$0x3F9C];
	_ =	swait.ge [sflag:s4], $0x0  }
0x19: {  	s7 =	sld [smem:$0x3F9D]  }
0x1a: {  	s8 =	sadd.s32 $0xFFFFE003, lr  }
0x1b: {  	s9 =	sadd.s32 $0xFFFFFEF7, lr;
	s5 =	simm.s32 $0xFFFFFFFF;
	p2 =	slt.u32 s8, $0xFFFFF086  }
0x1c: {  	p1 =	slt.u32 s9, $0xF7A;
	s5 =	simm.s32 @!p2 $0x0  }
0x1d: {  	s5 =	simm.s32 @p1 $0x1;
	p0 =	seq.s32 s7, s2  }
0x1e: {  	s7 =	smul.u32 @!p0 $0xF7A, s2;
	p2 =	seq.s32 @!p0 s5, $0x0  }
0x1f: {  	s9 =	smul.u32 $0xF7A, s1;
	s8 =	simm.s32 @!p0 $0x1BF5;
	p2 =	por !p2, p0  }
0x20: {  	[sflag:s8] =	ssyncset.s32 @!p0 $0xFFFFF086;
	s6 =	sadd.s32 @!p0 s3, s7;
	s7 =	simm.s32 @!p0 $0x108  }
0x21: {  	s3 =	sadd.s32 s3, s9;
	s6 =	sadd.s32 @!p0 $0x88, s6;
	s7 =	simm.s32 @p2 $0x1082  }
0x22: {  	[simem:s7], [sflag:s8] =	dma.local @!p0 [hbm:s6], $0xF7A  }
0x23: {  	s9 =	sor.u32 $0xD0000000, s2;
	s6 =	simm.s32 $0x108;
	_ =	swait.ge @!p0 [sflag:s8], $0x0  }
0x24: {  	s3 =	sadd.s32 $0x88, s3;
	s6 =	simm.s32 @!p1 $0x1082;
	[sflag:s4] =	ssyncset.s32 $0xFFFFF086  }
0x25: {  	[simem:s6], [sflag:s4] =	dma.local [hbm:s3], $0xF7A  }
0x26: {  	[smem:$0x3F9D] =	sst s1;
	(tag) =	ssettag s2;
	_ =	strace s9  }
0x27: {  	s1 =	sld [smem:$0x3FAD]  }
0x28: {  	s2 =	sld [smem:$0x3FAE]  }
0x29: {  	s4 =	sld [smem:$0x3FB0]  }
0x2a: {  	p0 =	seq.s32 s5, $0x0;
	s5 =	sld [smem:$0x3FB1]  }
0x2b: {  	s6 =	sld [smem:$0x3FB2]  }
0x2c: {  	s7 =	sld [smem:$0x3FB3]  }
0x2d: {  	s3 =	simm.s32 $0x108;
	s8 =	sld [smem:$0x3FB4]  }
0x2e: {  	s3 =	simm.s32 @!p0 $0x1082;
	s9 =	sld [smem:$0x3FB5]  }
0x2f: {  	lr =	sadd.s32 s0, s3;
	s0 =	sld [smem:$0x3FAC]  }
0x30: {  	s3 =	sld [smem:$0x3FAF]  }
0x31: {  	[smem:$0x3FB8] =	sst s10  }
0x32: {  	s10 =	sld [smem:$0x3FB6];
	_ =	sdelay $0x3  }
0x33: {  	p0 =	seq.s32 s10, $0x1;
	s10 =	sld [smem:$0x3FB8];
	_ =	sdelay $0x3  }
0x34: {  	[smem:$0x3FB8] =	sst s10  }
0x35: {  	s10 =	sld [smem:$0x3FB7];
	_ =	sdelay $0x3  }
0x36: {  	p1 =	seq.s32 s10, $0x1;
	s10 =	sld [smem:$0x3FB8];
	_ =	sdelay $0x3  }
0x37: {  	[smem:$0x3FB8] =	sst s10  }
0x38: {  	s10 =	sld [smem:$0x3FB9]  }
0x39: {  	_ = 	snop;
	(pc) =	sbr.ind lr, $3  }
0x3a: {  	_ = 	snop  }
0x3b: {  	_ = 	snop  }
0x3c: {  	p2 =	seq.s32 s10, $0x1;
	s10 =	sld [smem:$0x3FB8]  }
0x3d: {  	_ =	shalt  }
0x3e: {  	_ =	shalt  }
0x3f: {  	_ =	shalt  }
0x40: {  	_ =	shalt  }
0x41: {  	_ =	shalt  }
0x42: {  	_ =	shalt  }
0x43: {  	_ =	shalt  }
0x44: {  	_ =	shalt  }
0x45: {  	_ =	shalt  }
0x46: {  	_ =	shalt  }
0x47: {  	_ =	shalt  }
0x48: {  	_ =	shalt  }
0x49: {  	_ =	shalt  }
0x4a: {  	_ =	shalt  }
0x4b: {  	_ =	shalt  }
0x4c: {  	_ =	shalt  }
0x4d: {  	_ =	shalt  }
0x4e: {  	_ =	shalt  }
0x4f: {  	_ =	shalt  }
0x50: {  	_ =	shalt  }
0x51: {  	_ =	shalt  }
0x52: {  	_ =	shalt  }
0x53: {  	_ =	shalt  }
0x54: {  	_ =	shalt  }
0x55: {  	_ =	shalt  }
0x56: {  	_ =	shalt  }
0x57: {  	_ =	shalt  }
0x58: {  	_ =	shalt  }
0x59: {  	_ =	shalt  }
0x5a: {  	_ =	shalt  }
0x5b: {  	_ =	shalt  }
0x5c: {  	_ =	shalt  }
0x5d: {  	_ =	shalt  }
0x5e: {  	_ =	shalt  }
0x5f: {  	_ =	shalt  }
0x60: {  	_ =	shalt  }
0x61: {  	_ =	shalt  }
0x62: {  	_ =	shalt  }
0x63: {  	_ =	shalt  }
0x64: {  	_ =	shalt  }
0x65: {  	_ =	shalt  }
0x66: {  	_ =	shalt  }
0x67: {  	_ =	shalt  }
0x68: {  	_ =	shalt  }
0x69: {  	_ =	shalt  }
0x6a: {  	_ =	shalt  }
0x6b: {  	_ =	shalt  }
0x6c: {  	_ =	shalt  }
0x6d: {  	_ =	shalt  }
0x6e: {  	_ =	shalt  }
0x6f: {  	_ =	shalt  }
0x70: {  	_ =	shalt  }
0x71: {  	_ =	shalt  }
0x72: {  	_ =	shalt  }
0x73: {  	_ =	shalt  }
0x74: {  	_ =	shalt  }
0x75: {  	_ =	shalt  }
0x76: {  	_ =	shalt  }
0x77: {  	_ =	shalt  }
0x78: {  	_ =	shalt  }
0x79: {  	_ =	shalt  }
0x7a: {  	_ =	shalt  }
0x7b: {  	_ =	shalt  }
0x7c: {  	_ =	shalt  }
0x7d: {  	_ =	shalt  }
0x7e: {  	_ =	shalt  }
0x7f: {  	_ =	shalt  }
0x80: {  	_ =	shalt  }
0x81: {  	_ =	shalt  }
0x82: {  	_ =	shalt  }
0x83: {  	_ =	shalt  }
0x84: {  	_ =	shalt  }
0x85: {  	_ =	shalt  }
0x86: {  	_ =	shalt  }
0x87: {  	_ =	shalt  }
.Lfunc_end0:
.L_simem_size_0:
called_computation_lowered:
.L_overlay_start_0:
0x88: {  	s2 =	sld [smem:$0x3FD9]  }
0x89: {  	s3 =	sld [smem:$0x3FFE];
	_ =	sdelay $0x1  }
0x8a: {  	s1 =	srdreg.scid  }
0x8b: {  	s0 =	sand.u32 $0x1, s1  }
0x8c: {  	s16 =	sshll.u32 s0, $0xA;
	s2 =	sadd.s32 s3, s2  }
0x8d: {  	s2 =	sadd.s32 s2, s16  }
0x8e: {  	[smem:$0x3FC4] =	sst s2  }
0x8f: {  	_ = 	snop  }
0x90: {  	(tm) =	ssettm $0x1  }
0x91: {  	s17 =	sld [smem:$0x3FFB];
	_ =	sdelay $0x3  }
0x92: {  	_ =	strace s17  }
0x93: {  	s2 =	sld [smem:$0x3FFC];
	_ =	sdelay $0x3  }
0x94: {  	_ =	strace s2  }
0x95: {  	s2 =	sld [smem:$0x3FFD];
	_ =	sdelay $0x3  }
0x96: {  	_ =	strace s2  }
0x97: {  	_ =	strace $0x8FFFFFFF  }
0x98: {  	s18 =	sld [smem:$0x3FDB];
	_ =	sdelay $0x1  }
0x99: {  	s19 =	simm.s32 $_scs_section_size  }
0x9a: {  	s4 =	simm.s32 $_size__tile_overlayer_lowered;
	s5 =	simm.s32 $_tile_overlayer_lowered  }
0x9b: {  	s22 =	simm.s32 $0x1BFF;
	s21 =	sshll.u32 s5, $0x1;
	s2 =	sadd.s32 s19, s18  }
0x9c: {  	s6 =	simm.s32 $0x0;
	s20 =	sshll.u32 s4, $0x1;
	s4 =	sadd.s32 s21, s2  }
0x9d: {  	[timem:s6], [sflag:s22] =	dma.local [hbm:s4], s20  }
0x9e: {  	_ =	swait.ge [sflag:s22], s20  }
0x9f: {  	s3 =	ssub.s32 $0x0, s20;
	[sflag:s22] =	ssyncset.done $0x0  }
0xa0: {  	[sflag:s22] =	ssyncadd.s32 s3;
	_ =	sdelay $0x1  }
0xa1: {  	s23 =	simm.s32 $0x1B8B  }
0xa2: {  	_ =	swait.ge [sflag:s23], $0x1  }
0xa3: {  	[sflag:s23] =	ssyncset.done $0x0  }
0xa4: {  	s25 =	simm.s32 $0x1B8E;
	s24 =	sld [smem:$0x3FFE];
	[sflag:s23] =	ssyncadd.s32 $0xFFFFFFFF  }
0xa5: {  	s26 =	simm.s32 $execute0_lowered;
	[smem:$0x3FD2] =	sst s25  }
0xa6: {  	s4 =	sshll.u32 s26, $0x1;
	_ =	strace $0x80000046;
	[dreg:$0x1] =	wrdreg $0xFFFFFFFF  }
0xa7: {  	s28 =	simm.s32 $_size_execute0_lowered;
	s2 =	sadd.s32 s2, s4;
	[dreg:$0x0] =	wrdreg $0x0  }
0xa8: {  	s4 =	sshll.u32 s28, $0x1;
	[dreg:$0x2] =	wrdreg s2  }
0xa9: {  	[dreg:$0x3] =	wrdreg s4  }
0xaa: {  	[dreg:$0x4] =	wrdreg $0xC0  }
0xab: {  	_ =	task [dreg:s6], $0x5FFFF  }
0xac: {  	[dreg:$0x1] =	wrdreg $0xFFFFFFFF  }
0xad: {  	[dreg:$0x0] =	wrdreg $0x60  }
0xae: {  	[dreg:$0x2] =	wrdreg s24  }
0xaf: {  	[dreg:$0x3] =	wrdreg $0xA8000  }
0xb0: {  	[dreg:$0x4] =	wrdreg $0x9  }
0xb1: {  	_ =	task.clear_ibuf [dreg:s6], $0x5FFFF;
	_ =	strace $0x90000046  }
0xb2: {  	s29 =	simm.s32 $0x9;
	_ =	strace $0x80000048  }
0xb3: {  	_ =	swait.ge [sflag:s29], $0x1  }
0xb4: {  	[sflag:s29] =	ssyncadd.s32 $0xFFFFFFFF  }
0xb5: {  	_ =	strace $0x90000048  }
0xb6: {  	_ =	sfence  }
0xb7: {  	s30 =	sld [smem:$0x0];
	_ =	sdelay $0x2  }
0xb8: {  	s31 =	sshll.u32 s1, $0xD;
	s1 =	sshrl.u32 s1, $0x2  }
0xb9: {  	s3 =	sand.u32 $0x4000, s31;
	s1 =	sadd.s32 s1, s30  }
0xba: {  	s0 =	sor.u32 s3, s0;
	s1 =	sshll.u32 s1, $0x11  }
0xbb: {  	s0 =	sor.u32 s1, s0  }
0xbc: {  	s0 =	sadd.s32 $0x8F2B, s0  }
0xbd: {  	[sflag:s0] =	ssyncadd.remote.s32 $0x1  }
0xbe: {  	_ =	sfence.sel $0xFFFF  }
0xbf: {  	[dreg:$0x0] =	wrdreg $0xFFFFFFFF;
	(pc) =	sbr.abs _section_cstart, $3  }
0xc0: {  	[dreg:$0x1] =	wrdreg $0xFFFFFFFF  }
0xc1: {  	_ =	task.clear_ibuf [dreg:s6], $0x2FFFF;
	_ =	strace $0x9FFFFFFF  }
0xc2: {  	(tm) =	ssettm $0x7FFFFFFF  }
0xc3: {  	_ =	shalt  }
tec
execute0_lowered:
.L_overlay_start_1:
0x0: {  	(tag) =	ssettag $0x1  }
0x1: {  	s1 =	srdreg.scid;
	s5 =	rddreg [dreg:$0x0]  }
0x2: {  	s0 =	stileid.u32;
	s2 =	rddreg [dreg:$0x1];
	s3 =	simm.s32 $0x0  }
0x3: {  	s12 =	simm.s32 $0x1;
	s13 =	simm.s32 $0x6800;
	s14 =	simm.s32 $0x80  }
0x4: {  	s15 =	simm.s32 $0x2800;
	s4 =	sand.u32 $0x1, s1;
	s8 =	smul.u32 $0x14000, s0  }
0x5: {  	s28 =	sshll.u32 s0, $0x1;
	[smem:$0x7FF] =	sst s3;
	s9 =	smul.u32 $0x50000, s0  }
0x6: {  	s16 =	sshll.u32 s0, $0x6;
	s1 =	sor.u32 s4, s28;
	s7 =	smul.u32 $0x140000, s4  }
0x7: {  	s29 =	ssub.s32 $0x2, s4;
	s16 =	sor.u32 $0x1C01, s16;
	s6 =	smul.u32 $0x500, s1  }
0x8: {  	s1 =	rddreg [dreg:$0x2];
	_ =	strace $0x80000047;
	s30 =	sshrl.u32 s9, $0x2  }
0x9: {  	s31 =	sshrl.u32 s29, $0x1;
	s7 =	sadd.s32 s8, s7;
	s4 =	sadd.s32 s30, s2  }
0xa: {  	s11 =	ssub.s32 s29, s31;
	s6 =	sadd.s32 s6, s5;
	s7 =	sshrl.u32 s7, $0x3  }
0xb: {  	s8 =	sadd.s32 $0xC000, s4;
	s9 =	sadd.s32 $0x10000, s4;
	s11 =	smax.u32 s11, $0x1  }
0xc: {  	s17 =	sshrl.u32 s4, $0x3;
	s10 =	sadd.s32 s7, s5;
	s5 =	sadd.s32 $0xBA00, s6  }
0xd: {  	v0 =	vimm.f32 $1.000000000e+00;
	v1 =	vimm.f32 $0.0e+00;
	s6 =	sadd.s32 $0x4000, s4;
	s7 =	sadd.s32 $0x8000, s4;
	s10 =	sadd.s32 $0x15A00, s10  }
.LBB2_1:
0xe: {  	s18 =	simm.s32 $0x0;
	s19 =	simm.s32 $0x200  }
.LBB2_2:
0xf: {  	p0 =	sne.s32 s19, $0xFE00;
	[tilespmem:s18+$0x6870] =	vst v1  }
0x10: {  	[tilespmem:s18+$0x2800] =	vst v0  }
0x11: {  	[tilespmem:s18+$0x6800] =	vst v1  }
0x12: {  	[tilespmem:s18+$0x2810] =	vst v0  }
0x13: {  	[tilespmem:s18+$0x6810] =	vst v1  }
0x14: {  	[tilespmem:s18+$0x2820] =	vst v0  }
0x15: {  	[tilespmem:s18+$0x6820] =	vst v1  }
0x16: {  	[tilespmem:s18+$0x2830] =	vst v0  }
0x17: {  	[tilespmem:s18+$0x6830] =	vst v1  }
0x18: {  	[tilespmem:s18+$0x2840] =	vst v0  }
0x19: {  	[tilespmem:s18+$0x6840] =	vst v1  }
.Ltmp0:
0x1a: {  	[tilespmem:s18+$0x2850] =	vst v0;
	(pc) =	sbr.rel @p0 .LBB2_2-.Ltmp0, $4  }
0x1b: {  	[tilespmem:s18+$0x6850] =	vst v1  }
0x1c: {  	[tilespmem:s18+$0x2860] =	vst v0  }
0x1d: {  	[tilespmem:s18+$0x6860] =	vst v1  }
0x1e: {  	[tilespmem:s18+$0x2870] =	vst v0;
	s18 =	sshra.s32 s19, $0x2;
	s19 =	sadd.s32 $0x200, s19  }
0x1f: {  	[tilespmem:s18+$0x6870] =	vst v1  }
0x20: {  	[tilespmem:s18+$0x2800] =	vst v0  }
0x21: {  	[tilespmem:s18+$0x6800] =	vst v1  }
0x22: {  	[tilespmem:s18+$0x2810] =	vst v0  }
0x23: {  	[tilespmem:s18+$0x6810] =	vst v1  }
0x24: {  	[tilespmem:s18+$0x2820] =	vst v0  }
0x25: {  	[tilespmem:s18+$0x6820] =	vst v1  }
0x26: {  	[tilespmem:s18+$0x2830] =	vst v0  }
0x27: {  	[tilespmem:s18+$0x6830] =	vst v1  }
0x28: {  	[tilespmem:s18+$0x2840] =	vst v0  }
0x29: {  	[tilespmem:s18+$0x6840] =	vst v1  }
0x2a: {  	[tilespmem:s18+$0x2850] =	vst v0  }
0x2b: {  	[tilespmem:s18+$0x6850] =	vst v1  }
0x2c: {  	[tilespmem:s18+$0x2860] =	vst v0  }
0x2d: {  	[tilespmem:s18+$0x6860] =	vst v1  }
0x2e: {  	[tilespmem:s18+$0x2870] =	vst v0;
	s30 =	simm.s32 $0x0  }
0x2f: {  	[tilespmem:s30], [sflag:$0x1] =	stream.linear.gather [hbm4b:s5+s30], $0x2800, $0x38;
	[tilespmem:$0x1E800] =	vst v63  }
0x30: {  	_ =	swait.ge [sflag:s12], $0x2800  }
0x31: {  	[sflag:s12] =	ssyncset.done $0x0  }
0x32: {  	[sflag:s12] =	ssyncadd.s32 $0xFFFFD800  }
0x33: {  	[spmem:s4] =	stream.linear.scatter [tilespmem:s13], [sflag:$0x1], $0x4000, $0x38;
	[tilespmem:$0x1E800] =	vst v63  }
0x34: {  	_ =	swait.ge [sflag:s12], $0x4000  }
0x35: {  	[sflag:s12] =	ssyncset.done $0x0  }
0x36: {  	[sflag:s12] =	ssyncadd.s32 $0xFFFFC000  }
0x37: {  	[spmem:s6] =	stream.linear.scatter [tilespmem:s13], [sflag:$0x1], $0x4000, $0x38;
	[tilespmem:$0x1E800] =	vst v63  }
0x38: {  	_ =	swait.ge [sflag:s12], $0x4000  }
0x39: {  	[sflag:s12] =	ssyncset.done $0x0  }
0x3a: {  	[sflag:s12] =	ssyncadd.s32 $0xFFFFC000  }
0x3b: {  	[spmem:s7] =	stream.linear.scatter [tilespmem:s13], [sflag:$0x1], $0x4000, $0x38;
	[tilespmem:$0x1E800] =	vst v63  }
0x3c: {  	_ =	swait.ge [sflag:s12], $0x4000  }
0x3d: {  	[sflag:s12] =	ssyncset.done $0x0  }
0x3e: {  	[sflag:s12] =	ssyncadd.s32 $0xFFFFC000  }
0x3f: {  	[spmem:s8] =	stream.linear.scatter [tilespmem:s13], [sflag:$0x1], $0x4000, $0x38;
	[tilespmem:$0x1E800] =	vst v63  }
0x40: {  	_ =	swait.ge [sflag:s12], $0x4000  }
0x41: {  	[sflag:s12] =	ssyncset.done $0x0  }
0x42: {  	[sflag:s12] =	ssyncadd.s32 $0xFFFFC000  }
0x43: {  	[spmem:s9] =	stream.linear.scatter [tilespmem:s13], [sflag:$0x1], $0x4000, $0x38;
	[tilespmem:$0x1E800] =	vst v63  }
0x44: {  	_ =	swait.ge [sflag:s12], $0x4000  }
0x45: {  	[sflag:s12] =	ssyncset.done $0x0  }
0x46: {  	[sflag:s12] =	ssyncadd.s32 $0xFFFFC000  }
0x47: {  	s31 =	simm.s32 $0x0;
	[bflag:$0x0] =	sbarrier.arrive $0xFFFF  }
0x48: {  	[spmem:s2] =	stream.indirect.scatter.add.f32 [tilespmem:s15], [sflag:$0x1], $0x80, s31, s14, $0xb8;
	[tilespmem:$0x1E800] =	vst v63  }
0x49: {  	_ =	swait.ge [sflag:s12], $0x4000  }
0x4a: {  	s18 =	simm.s32 $0x200;
	[sflag:s12] =	ssyncset.done $0x0  }
.LBB2_4:
0x4b: {  	s19 =	sshra.s32 s18, $0x2;
	[sflag:s12] =	ssyncadd.s32 $0xFFFFC000;
	p0 =	sne.s32 s18, $0x9E00  }
0x4c: {  	[spmem:s2] =	stream.indirect.scatter.add.f32 [tilespmem:s15], [sflag:$0x1], $0x80, s19, s14, $0xb8;
	[tilespmem:$0x1E800] =	vst v63  }
.Ltmp1:
0x4d: {  	_ = 	snop;
	(pc) =	sbr.rel @p0 .LBB2_4-.Ltmp1, $4  }
0x4e: {  	_ = 	snop  }
0x4f: {  	s18 =	sadd.s32 $0x200, s18  }
0x50: {  	_ =	swait.ge [sflag:s12], $0x4000  }
0x51: {  	[sflag:s12] =	ssyncset.done $0x0  }
0x52: {  	s3 =	sadd.s32 $0x1, s3  }
0x53: {  	[sflag:s12] =	ssyncadd.s32 $0xFFFFC000;
	p0 =	sne.s32 s3, s11  }
.Ltmp2:
0x54: {  	[bflag:$0x0] =	sbarrier.arrive $0xFFFF;
	(pc) =	sbr.rel @p0 .LBB2_1-.Ltmp2, $4  }
0x55: {  	[hbm:s10], [sflag:s16] =	dma.local [spmem:s17], $0x2800  }
0x56: {  	_ =	swait.ge [sflag:s12], $0x2800  }
0x57: {  	[sflag:s12] =	ssyncset.done $0x0  }
0x58: {  	[sflag:s12] =	ssyncadd.s32 $0xFFFFD800  }
0x59: {  	_ =	sfence.sel $0x180000  }
0x5a: {  	[bflag:$0x0] =	sbarrier.arrive $0xFFFF  }
0x5b: {  	p0 =	sne.s32 s0, $0x0;
	_ =	strace $0x90000047  }
0x5c: {  	s0 =	sadd.s32 @!p0 $0x100000, s1;
	[bflag:$0x2] =	sbarrier.arrive $0xFFFF  }
0x5d: {  	[sflag:s0] =	ssyncadd.tile.s32 @!p0 $0x1;
	_ =	shalt  }
.Lfunc_end2:
_tile_overlayer_lowered:
.L_overlay_start_2:
0x5e: {  	(tag) =	ssettag $0x2  }
0x5f: {  	s0 =	rddreg [dreg:$0x0];
	s2 =	stileid.u32  }
0x60: {  	s1 =	rddreg [dreg:$0x1];
	p0 =	sne.s32 s2, $0x0  }
0x61: {  	s3 =	rddreg [dreg:$0x2];
	[bflag:$0x3] =	sbarrier.arrive $0xFFFF;
	s2 =	simm.s32 @!p0 $0x1C01  }
0x62: {  	[timem:s3], [sflag:s2] =	dma.local @!p0 [hbm:s0], s1  }
0x63: {  	s0 =	simm.s32 @!p0 $0x1  }
0x64: {  	_ =	swait.ge @!p0 [sflag:s0], s1  }
0x65: {  	s1 =	ssub.s32 @!p0 $0x0, s1;
	[sflag:s0] =	ssyncset.done @!p0 $0x0  }
0x66: {  	[sflag:s0] =	ssyncadd.s32 @!p0 s1  }
0x67: {  	[bflag:$0x3] =	sbarrier.arrive $0xFFFF  }
0x68: {  	_ =	shalt  }

</sc_bundles>
